<compile_context>
chip_gen: v7x
topology: tpu7x:2x2x1
jax: 0.10.2.dev20260603
libtpu: 0.0.44.dev20260713+nightly
codegen_flags: <defaults>
</compile_context>

<pallas_src>
import functools

import jax
import jax.numpy as jnp
from jax import lax
from jax.experimental import pallas as pl
from jax.experimental.pallas import tpu as pltpu
from jax.experimental.pallas import tpu_sc as plsc

B = 1024
OBS = 1024
HID = 1024
E = 8
ACT = 16

T = 64
NT = B // T + E - 1
NTP = NT + 1
NP = NT * T
PW = 128

_SC = plsc.get_sparse_core_info()
_NC, _NS = _SC.num_cores, _SC.num_subcores
NW = _NC * _NS
RPW = B // NW
LANES = 16

_F = jnp.float32


def _heads_body(obs_ref, dones_ref, eo_ref, Wcat_ref, bcat_ref,
                ma_ref, mv_ref, mlp_ref, tp_ref, pos_ref, texp_ref):
    eyeB = (lax.broadcasted_iota(jnp.int32, (B, B), 0)
            == lax.broadcasted_iota(jnp.int32, (B, B), 1)).astype(_F)
    eo_row = eo_ref[...].reshape(1, B).astype(_F)
    dones_row = dones_ref[...].reshape(1, B).astype(_F)
    eo_col = lax.dot_general(eyeB, eo_row, (((1,), (1,)), ((), ())),
                             preferred_element_type=_F).astype(jnp.int32)
    dones_col = lax.dot_general(eyeB, dones_row, (((1,), (1,)), ((), ())),
                                preferred_element_type=_F)
    idxBE = lax.broadcasted_iota(jnp.int32, (B, E), 1)
    allh = jnp.dot(obs_ref[...], Wcat_ref[...],
                   preferred_element_type=_F) + bcat_ref[...]
    meta_logits = allh[:, 0:E]
    term_logits = allh[:, E:2 * E]
    meta_values = allh[:, 2 * E:2 * E + 1]
    m = jnp.max(meta_logits, axis=-1, keepdims=True)
    meta_actions = jnp.min(jnp.where(meta_logits == m, idxBE, E),
                           axis=-1, keepdims=True)
    meta_log_probs = -jnp.log(jnp.sum(jnp.exp(meta_logits - m),
                                      axis=-1, keepdims=True))
    tp_all = jax.nn.sigmoid(term_logits)
    termination_probs = jnp.sum(jnp.where(idxBE == eo_col, tp_all, 0.0),
                                axis=-1, keepdims=True)
    terminates = (dones_col != 0) | (termination_probs > 0.5)
    new_option = jnp.where(terminates, meta_actions, eo_col)
    ma_ref[...] = meta_actions
    mv_ref[...] = meta_values
    mlp_ref[...] = meta_log_probs
    tp_ref[...] = termination_probs

    no_row = lax.dot_general(new_option.astype(_F), eyeB,
                             (((0,), (0,)), ((), ())),
                             preferred_element_type=_F)
    idxE = lax.broadcasted_iota(jnp.int32, (E, B), 0)
    maskT = (no_row == idxE.astype(_F)).astype(_F)
    counts = jnp.sum(maskT, axis=1, keepdims=True)
    upper = (lax.broadcasted_iota(jnp.int32, (B, B), 0)
             < lax.broadcasted_iota(jnp.int32, (B, B), 1)).astype(_F)
    rank = jnp.dot(maskT, upper, preferred_element_type=_F)
    tiles = jnp.floor((counts + (T - 1)) * (1.0 / T))
    before = (lax.broadcasted_iota(jnp.int32, (E, E), 1)
              < lax.broadcasted_iota(jnp.int32, (E, E), 0)).astype(_F)
    tbase = jnp.dot(before, tiles, preferred_element_type=_F)
    pos_f = jnp.sum(maskT * (T * tbase + rank), axis=0, keepdims=True)
    pos_ref[...] = pos_f.astype(jnp.int32)

    iotaEc = lax.broadcasted_iota(jnp.int32, (E, 1), 0).astype(_F)
    total = jnp.sum(tiles, axis=0, keepdims=True)
    e_last = jnp.max(jnp.where(tiles > 0, iotaEc, -1.0),
                     axis=0, keepdims=True)
    tt = lax.broadcasted_iota(jnp.int32, (E, NTP), 1).astype(_F)
    live = (tt >= tbase) & (tt < tbase + tiles)
    texp_live = jnp.sum(jnp.where(live, iotaEc, 0.0), axis=0, keepdims=True)
    dead = (lax.broadcasted_iota(jnp.int32, (1, NTP), 1).astype(_F) >= total)
    texp_row = jnp.where(dead, e_last, texp_live)
    is_last = (lax.broadcasted_iota(jnp.int32, (1, NTP), 1) == NTP - 1)
    texp_ref[...] = jnp.where(is_last, total, texp_row).astype(jnp.int32)


def _heads_call(observation, dones_i, eo, Wcat, bcat):
    b1spec = lambda r: pl.BlockSpec(r, lambda: (0,) * len(r))
    return pl.pallas_call(
        _heads_body,
        in_specs=[
            b1spec((B, OBS)), b1spec((B,)), b1spec((B,)),
            b1spec((OBS, 2 * E + 1)), b1spec((1, 2 * E + 1)),
        ],
        out_specs=[
            b1spec((B, 1)), b1spec((B, 1)), b1spec((B, 1)), b1spec((B, 1)),
            b1spec((1, B)), b1spec((1, NTP)),
        ],
        out_shape=[
            jax.ShapeDtypeStruct((B, 1), jnp.int32),
            jax.ShapeDtypeStruct((B, 1), _F),
            jax.ShapeDtypeStruct((B, 1), _F),
            jax.ShapeDtypeStruct((B, 1), _F),
            jax.ShapeDtypeStruct((1, B), jnp.int32),
            jax.ShapeDtypeStruct((1, NTP), jnp.int32),
        ],
    )(observation, dones_i, eo, Wcat, bcat)


def _expert_body(te_ref, sobs_ref, W1_ref, b1_ref, W2_ref, b2_ref,
                 Wv_ref, bv_ref, out_ref):
    t = pl.program_id(0)

    @pl.when(t < te_ref[NTP - 1])
    def _live():
        e = te_ref[t]
        sel8 = lax.broadcasted_iota(jnp.int32, (E, 1), 0) == e
        b1row = jnp.sum(jnp.where(sel8, b1_ref[...], 0.0), axis=0,
                        keepdims=True)
        b2row = jnp.sum(jnp.where(sel8, b2_ref[...], 0.0), axis=0,
                        keepdims=True)
        wvrow = jnp.sum(jnp.where(sel8, Wv_ref[...], 0.0), axis=0,
                        keepdims=True)
        x = sobs_ref[...]
        h = jnp.maximum(
            jnp.dot(x, W1_ref[0], preferred_element_type=_F) + b1row, 0.0)
        logits = jnp.dot(h, W2_ref[0], preferred_element_type=_F) + b2row
        vals = jnp.sum(h * wvrow, axis=1, keepdims=True) + bv_ref[e]
        m = jnp.max(logits, axis=-1, keepdims=True)
        idx = lax.broadcasted_iota(jnp.int32, (T, ACT), 1)
        acts = jnp.min(jnp.where(logits == m, idx, ACT), axis=-1,
                       keepdims=True)
        lps = -jnp.log(jnp.sum(jnp.exp(logits - m), axis=-1, keepdims=True))
        out_ref[...] = jnp.concatenate(
            [acts.astype(_F), vals, lps, jnp.zeros((T, PW - 3), _F)], axis=1)


def _experts_call(te, sorted_obs, W1, b1, W2, b2, Wv, bv):
    grid_spec = pltpu.PrefetchScalarGridSpec(
        num_scalar_prefetch=1,
        grid=(NT,),
        in_specs=[
            pl.BlockSpec((T, OBS),
                         lambda t, te: (jnp.where(t < te[NTP - 1], t, 0), 0)),
            pl.BlockSpec((1, OBS, HID), lambda t, te: (te[t], 0, 0)),
            pl.BlockSpec((E, HID), lambda t, te: (0, 0)),
            pl.BlockSpec((1, HID, ACT), lambda t, te: (te[t], 0, 0)),
            pl.BlockSpec((E, ACT), lambda t, te: (0, 0)),
            pl.BlockSpec((E, HID), lambda t, te: (0, 0)),
            pl.BlockSpec(memory_space=pltpu.SMEM),
        ],
        out_specs=pl.BlockSpec((T, PW), lambda t, te: (t, 0)),
    )
    return pl.pallas_call(
        _expert_body,
        grid_spec=grid_spec,
        out_shape=jax.ShapeDtypeStruct((NP, PW), _F),
    )(te, sorted_obs, W1, b1, W2, b2, Wv, bv)


_sc_mesh = plsc.VectorSubcoreMesh(core_axis_name="c", subcore_axis_name="s")


NCH = 4
CH = RPW // NCH


@functools.partial(
    pl.kernel, mesh=_sc_mesh,
    out_type=jax.ShapeDtypeStruct((NP, OBS), _F),
    scratch_types=[
        pltpu.VMEM((NCH, CH), jnp.int32),
        pltpu.VMEM((RPW, OBS), _F),
        pltpu.SemaphoreType.DMA,
        pltpu.SemaphoreType.DMA,
        pltpu.SemaphoreType.DMA,
        pltpu.SemaphoreType.DMA,
        pltpu.SemaphoreType.DMA,
    ],
)
def _sc_scatter_obs(pos_hbm, obs_hbm, out_hbm, idx_v, rows_v, lsem0, lsem1,
                    lsem2, lsem3, ssem):
    wid = lax.axis_index("s") * _NC + lax.axis_index("c")
    base = wid * RPW
    loads = []
    for j, lsem in enumerate((lsem0, lsem1, lsem2, lsem3)):
        pltpu.sync_copy(pos_hbm.at[0, pl.ds(base + j * CH, CH)], idx_v.at[j])
        loads.append(pltpu.async_copy(
            obs_hbm.at[pl.ds(base + j * CH, CH)],
            rows_v.at[pl.ds(j * CH, CH)], lsem))
    stores = []
    for j in range(NCH):
        loads[j].wait()
        stores.append(pltpu.async_copy(
            rows_v.at[pl.ds(j * CH, CH)], out_hbm.at[idx_v.at[j]], ssem))
    for s in stores:
        s.wait()


@functools.partial(
    pl.kernel, mesh=_sc_mesh,
    out_type=[
        jax.ShapeDtypeStruct((B,), jnp.int32),
        jax.ShapeDtypeStruct((B,), _F),
        jax.ShapeDtypeStruct((B,), _F),
    ],
    scratch_types=[
        pltpu.VMEM((RPW,), jnp.int32),
        pltpu.VMEM((RPW,), jnp.int32),
        pltpu.VMEM((RPW,), jnp.int32),
        pltpu.VMEM((RPW,), jnp.int32),
        pltpu.VMEM((RPW,), _F),
        pltpu.VMEM((RPW,), _F),
        pltpu.VMEM((RPW,), _F),
        pltpu.VMEM((RPW,), jnp.int32),
        pltpu.SemaphoreType.DMA,
    ],
)
def _sc_gather_out(pos_hbm, packed_hbm, act_hbm, val_hbm, lp_hbm,
                   idx_v, ai_v, vi_v, li_v, af_v, vf_v, lf_v, a_v, sem):
    wid = lax.axis_index("s") * _NC + lax.axis_index("c")
    base = wid * RPW
    pltpu.sync_copy(pos_hbm.at[0, pl.ds(base, RPW)], idx_v)
    for j in range(RPW // LANES):
        sl = pl.ds(j * LANES, LANES)
        flat = idx_v[sl] * PW
        ai_v[sl] = flat
        vi_v[sl] = flat + 1
        li_v[sl] = flat + 2
    c1 = pltpu.async_copy(packed_hbm.at[ai_v], af_v, sem)
    c2 = pltpu.async_copy(packed_hbm.at[vi_v], vf_v, sem)
    c3 = pltpu.async_copy(packed_hbm.at[li_v], lf_v, sem)
    c1.wait()
    c2.wait()
    c3.wait()
    for j in range(RPW // LANES):
        sl = pl.ds(j * LANES, LANES)
        a_v[sl] = af_v[sl].astype(jnp.int32)
    pltpu.sync_copy(a_v, act_hbm.at[pl.ds(base, RPW)])
    pltpu.sync_copy(vf_v, val_hbm.at[pl.ds(base, RPW)])
    pltpu.sync_copy(lf_v, lp_hbm.at[pl.ds(base, RPW)])


def kernel(observation, dones, executing_option, W_meta, b_meta, W_mv, b_mv,
           W_term, b_term, W1, b1, W2, b2, Wv, bv):
    dones_i = dones
    eo = executing_option.astype(jnp.int32)
    Wcat = jnp.concatenate([W_meta, W_term, W_mv], axis=1)
    bcat = jnp.concatenate([b_meta, b_term, b_mv]).reshape(1, 2 * E + 1)

    ma, mv, mlp, tp, pos, texp = _heads_call(
        observation, dones_i, eo, Wcat, bcat)
    te = texp.reshape(NTP)

    sorted_obs = _sc_scatter_obs(pos, observation)
    packed = _experts_call(te, sorted_obs, W1, b1, W2, b2, Wv, bv)
    actions, values, log_probs = _sc_gather_out(pos, packed.reshape(NP * PW))

    return (actions, values, log_probs, ma.reshape(B), mv.reshape(B),
            mlp.reshape(B), tp.reshape(B))

# --- scband reference (transcript-rebuilt; emitter-appended) ---
"""Pipeline reference for scband-option-net-85976655331415 (READ-ONLY COPY).

The authoritative reference and input builder live on the scoring server;
editing this copy changes nothing except your own understanding.
"""

import jax, jax.numpy as jnp
import numpy as np

B = 1024      # num_agents
OBS = 1024    # observation dim
HID = 1024    # policy hidden dim
E = 8         # num options (experts)
ACT = 16      # discrete action dim


def setup_inputs(seed: int = 0) -> dict:
    key = jax.random.key(seed)
    ks = jax.random.split(key, 12)
    s_obs = 1.0 / np.sqrt(OBS)
    s_hid = 1.0 / np.sqrt(HID)
    inp = {}
    inp["observation"] = jax.random.normal(ks[0], (B, OBS), dtype=jnp.float32)
    inp["dones"] = jnp.zeros((B,), dtype=bool)
    inp["executing_option"] = jax.random.randint(ks[1], (B,), 0, E)
    # meta policy params (actor head over options + value head)
    inp["W_meta"] = (jax.random.normal(ks[2], (OBS, E), dtype=jnp.float32) * s_obs)
    inp["b_meta"] = jnp.zeros((E,), dtype=jnp.float32)
    inp["W_mv"] = (jax.random.normal(ks[3], (OBS, 1), dtype=jnp.float32) * s_obs)
    inp["b_mv"] = jnp.zeros((1,), dtype=jnp.float32)
    # termination head: per-option termination logits
    inp["W_term"] = (jax.random.normal(ks[4], (OBS, E), dtype=jnp.float32) * s_obs)
    inp["b_term"] = jnp.zeros((E,), dtype=jnp.float32)
    # stacked per-option policy MLPs: obs -> hid -> (action logits, value)
    inp["W1"] = (jax.random.normal(ks[5], (E, OBS, HID), dtype=jnp.float32) * s_obs)
    inp["b1"] = jnp.zeros((E, HID), dtype=jnp.float32)
    inp["W2"] = (jax.random.normal(ks[6], (E, HID, ACT), dtype=jnp.float32) * s_hid)
    inp["b2"] = jnp.zeros((E, ACT), dtype=jnp.float32)
    inp["Wv"] = (jax.random.normal(ks[7], (E, HID), dtype=jnp.float32) * s_hid)
    inp["bv"] = jnp.zeros((E,), dtype=jnp.float32)
    return inp


def reference(observation, dones, executing_option, W_meta, b_meta, W_mv, b_mv,
              W_term, b_term, W1, b1, W2, b2, Wv, bv):
    b = observation.shape[0]
    ar = jnp.arange(b)
    # meta_actions, meta_values, meta_log_probs = self.meta_policy(observation)
    meta_logits = observation @ W_meta + b_meta
    meta_actions = jnp.argmax(meta_logits, axis=-1)
    meta_lsm = jax.nn.log_softmax(meta_logits, axis=-1)
    meta_log_probs = meta_lsm[ar, meta_actions]
    meta_values = (observation @ W_mv + b_mv)[:, 0]  # .squeeze(1)
    # option_terminates, termination_probs = self.terminations(obs, executing_option)
    term_probs_all = jax.nn.sigmoid(observation @ W_term + b_term)  # [B, E]
    termination_probs = term_probs_all[ar, executing_option]
    option_terminates = dones | (termination_probs > 0.5)
    # self.executing_option[option_terminates] = meta_actions[option_terminates]
    new_option = jnp.where(option_terminates, meta_actions, executing_option)
    # per-option policy forward; masked routing computed densely over all experts,
    # then gathered per agent (identical math to the boolean-mask loop)
    h = jax.nn.relu(jnp.einsum('bd,edh->ebh', observation, W1) + b1[:, None, :])  # [E,B,H]
    logits = jnp.einsum('ebh,eha->eba', h, W2) + b2[:, None, :]                   # [E,B,A]
    vals = jnp.einsum('ebh,eh->eb', h, Wv) + bv[:, None]                          # [E,B]
    acts = jnp.argmax(logits, axis=-1)                                            # [E,B]
    lsm = jax.nn.log_softmax(logits, axis=-1)
    lps = jnp.take_along_axis(lsm, acts[..., None], axis=-1)[..., 0]              # [E,B]
    actions = acts[new_option, ar]
    values = vals[new_option, ar]
    log_probs = lps[new_option, ar]
    return (actions, values, log_probs, meta_actions, meta_values,
            meta_log_probs, termination_probs)

if __name__ == "__main__":
    import jax
    _d = setup_inputs()
    print(jax.jit(kernel)(*tuple(_d.values())))

</pallas_src>

<mosaic_0001>
#map = affine_map<(d0, d1) -> (0, 0)>
#map1 = affine_map<(d0, d1) -> (0)>
module attributes {stable_mosaic.version = 14 : i64} {
  func.func @_sc_gather_out(%arg0: i32, %arg1: i32, %arg2: memref<1x1024xi32, #tpu.memory_space<hbm>>, %arg3: memref<188416xf32, #tpu.memory_space<hbm>>, %arg4: memref<1024xi32, #tpu.memory_space<hbm>>, %arg5: memref<1024xf32, #tpu.memory_space<hbm>>, %arg6: memref<1024xf32, #tpu.memory_space<hbm>>, %arg7: memref<32xi32, #tpu.memory_space<vmem>>, %arg8: memref<32xi32, #tpu.memory_space<vmem>>, %arg9: memref<32xi32, #tpu.memory_space<vmem>>, %arg10: memref<32xi32, #tpu.memory_space<vmem>>, %arg11: memref<32xf32, #tpu.memory_space<vmem>>, %arg12: memref<32xf32, #tpu.memory_space<vmem>>, %arg13: memref<32xf32, #tpu.memory_space<vmem>>, %arg14: memref<32xi32, #tpu.memory_space<vmem>>, %arg15: memref<!tpu.dma_semaphore, #tpu.memory_space<semaphore_mem>>) attributes {dimension_semantics = [#tpu.dimension_semantics<core_parallel>, #tpu.dimension_semantics<subcore_parallel>], iteration_bounds = array<i64: 2, 16>, scalar_prefetch = 0 : i64, scratch_operands = 9 : i64, tpu.core_type = #tpu.core_type<sc_vector_subcore>, window_params = [{transform_indices = #map}, {transform_indices = #map1}, {transform_indices = #map1}, {transform_indices = #map1}, {transform_indices = #map1}]} {
    %mul3A = arith.constant 2 : i32
    %mul3A_0 = arith.muli %arg1, %mul3A : i32
    %add3A = arith.addi %mul3A_0, %arg0 : i32
    %mul3A_1 = arith.constant 32 : i32
    %mul3A_2 = arith.muli %add3A, %mul3A_1 : i32
    %run_scoped3A = arith.constant 0 : i32
    "tpu.region"() ({
      %run_scoped3A_74 = tpu.sem_alloc : memref<!tpu.dma_semaphore, #tpu.memory_space<semaphore_mem>>
      %dma_start3A_75 = tpu.memref_slice %arg2[%run_scoped3A, %mul3A_2] : memref<1x1024xi32, #tpu.memory_space<hbm>> -> memref<1x32xi32, #tpu.memory_space<hbm>>
      %dma_start3A_76 = tpu.memref_squeeze %dma_start3A_75 : memref<1x32xi32, #tpu.memory_space<hbm>> -> memref<32xi32, #tpu.memory_space<hbm>>
      %dma_start3A_77 = tpu.memref_slice %arg2[%run_scoped3A, %mul3A_2] : memref<1x1024xi32, #tpu.memory_space<hbm>> -> memref<1x32xi32, #tpu.memory_space<hbm>>
      %dma_start3A_78 = tpu.memref_squeeze %dma_start3A_77 : memref<1x32xi32, #tpu.memory_space<hbm>> -> memref<32xi32, #tpu.memory_space<hbm>>
      tpu.enqueue_dma source(%dma_start3A_78 : memref<32xi32, #tpu.memory_space<hbm>>) target(%arg7 : memref<32xi32, #tpu.memory_space<vmem>>) target_semaphore(%run_scoped3A_74 : memref<!tpu.dma_semaphore, #tpu.memory_space<semaphore_mem>>)
      %dma_wait3A_79 = tpu.memref_slice %arg2[%run_scoped3A, %mul3A_2] : memref<1x1024xi32, #tpu.memory_space<hbm>> -> memref<1x32xi32, #tpu.memory_space<hbm>>
      %dma_wait3A_80 = tpu.memref_squeeze %dma_wait3A_79 : memref<1x32xi32, #tpu.memory_space<hbm>> -> memref<32xi32, #tpu.memory_space<hbm>>
      %dma_wait3A_81 = tpu.memref_slice %arg2[%run_scoped3A, %mul3A_2] : memref<1x1024xi32, #tpu.memory_space<hbm>> -> memref<1x32xi32, #tpu.memory_space<hbm>>
      %dma_wait3A_82 = tpu.memref_squeeze %dma_wait3A_81 : memref<1x32xi32, #tpu.memory_space<hbm>> -> memref<32xi32, #tpu.memory_space<hbm>>
      tpu.wait_dma2 semaphore(%run_scoped3A_74 : memref<!tpu.dma_semaphore, #tpu.memory_space<semaphore_mem>>) src(%dma_wait3A_82 : memref<32xi32, #tpu.memory_space<hbm>>) dst(%arg7 : memref<32xi32, #tpu.memory_space<vmem>>)
      tpu.yield
    }) : () -> ()
    %get3A = arith.constant 0 : index
    %get3A_3 = tpu.vector_load %arg7[%get3A] {strides = array<i32>} : memref<32xi32, #tpu.memory_space<vmem>>, vector<16xi32>,
    %get3A_4 = vector.shape_cast %get3A_3 : vector<16xi32> to vector<16xi32>
    %mul3A_5 = arith.constant 128 : i32
    %mul3A_6 = vector.broadcast %mul3A_5 : i32 to vector<16xi32>
    %mul3A_7 = arith.muli %get3A_4, %mul3A_6 : vector<16xi32>
    %swap3A = arith.constant 0 : index
    %swap3A_8 = tpu.vector_load %arg8[%swap3A] {strides = array<i32>} : memref<32xi32, #tpu.memory_space<vmem>>, vector<16xi32>,
    %swap3A_9 = vector.shape_cast %swap3A_8 : vector<16xi32> to vector<16xi32>
    %swap3A_10 = vector.shape_cast %mul3A_7 : vector<16xi32> to vector<16xi32>
    tpu.vector_store %arg8[%swap3A], %swap3A_10 {strides = array<i32>} : memref<32xi32, #tpu.memory_space<vmem>>, vector<16xi32>,
    %add3A_11 = arith.constant 1 : i32
    %add3A_12 = vector.broadcast %add3A_11 : i32 to vector<16xi32>
    %add3A_13 = arith.addi %mul3A_7, %add3A_12 : vector<16xi32>
    %swap3A_14 = arith.constant 0 : index
    %swap3A_15 = tpu.vector_load %arg9[%swap3A_14] {strides = array<i32>} : memref<32xi32, #tpu.memory_space<vmem>>, vector<16xi32>,
    %swap3A_16 = vector.shape_cast %swap3A_15 : vector<16xi32> to vector<16xi32>
    %swap3A_17 = vector.shape_cast %add3A_13 : vector<16xi32> to vector<16xi32>
    tpu.vector_store %arg9[%swap3A_14], %swap3A_17 {strides = array<i32>} : memref<32xi32, #tpu.memory_space<vmem>>, vector<16xi32>,
    %add3A_18 = arith.constant 2 : i32
    %add3A_19 = vector.broadcast %add3A_18 : i32 to vector<16xi32>
    %add3A_20 = arith.addi %mul3A_7, %add3A_19 : vector<16xi32>
    %swap3A_21 = arith.constant 0 : index
    %swap3A_22 = tpu.vector_load %arg10[%swap3A_21] {strides = array<i32>} : memref<32xi32, #tpu.memory_space<vmem>>, vector<16xi32>,
    %swap3A_23 = vector.shape_cast %swap3A_22 : vector<16xi32> to vector<16xi32>
    %swap3A_24 = vector.shape_cast %add3A_20 : vector<16xi32> to vector<16xi32>
    tpu.vector_store %arg10[%swap3A_21], %swap3A_24 {strides = array<i32>} : memref<32xi32, #tpu.memory_space<vmem>>, vector<16xi32>,
    %get3A_25 = arith.constant 16 : index
    %get3A_26 = tpu.vector_load %arg7[%get3A_25] {strides = array<i32>} : memref<32xi32, #tpu.memory_space<vmem>>, vector<16xi32>,
    %get3A_27 = vector.shape_cast %get3A_26 : vector<16xi32> to vector<16xi32>
    %mul3A_28 = arith.constant 128 : i32
    %mul3A_29 = vector.broadcast %mul3A_28 : i32 to vector<16xi32>
    %mul3A_30 = arith.muli %get3A_27, %mul3A_29 : vector<16xi32>
    %swap3A_31 = arith.constant 16 : index
    %swap3A_32 = tpu.vector_load %arg8[%swap3A_31] {strides = array<i32>} : memref<32xi32, #tpu.memory_space<vmem>>, vector<16xi32>,
    %swap3A_33 = vector.shape_cast %swap3A_32 : vector<16xi32> to vector<16xi32>
    %swap3A_34 = vector.shape_cast %mul3A_30 : vector<16xi32> to vector<16xi32>
    tpu.vector_store %arg8[%swap3A_31], %swap3A_34 {strides = array<i32>} : memref<32xi32, #tpu.memory_space<vmem>>, vector<16xi32>,
    %add3A_35 = arith.constant 1 : i32
    %add3A_36 = vector.broadcast %add3A_35 : i32 to vector<16xi32>
    %add3A_37 = arith.addi %mul3A_30, %add3A_36 : vector<16xi32>
    %swap3A_38 = arith.constant 16 : index
    %swap3A_39 = tpu.vector_load %arg9[%swap3A_38] {strides = array<i32>} : memref<32xi32, #tpu.memory_space<vmem>>, vector<16xi32>,
    %swap3A_40 = vector.shape_cast %swap3A_39 : vector<16xi32> to vector<16xi32>
    %swap3A_41 = vector.shape_cast %add3A_37 : vector<16xi32> to vector<16xi32>
    tpu.vector_store %arg9[%swap3A_38], %swap3A_41 {strides = array<i32>} : memref<32xi32, #tpu.memory_space<vmem>>, vector<16xi32>,
    %add3A_42 = arith.constant 2 : i32
    %add3A_43 = vector.broadcast %add3A_42 : i32 to vector<16xi32>
    %add3A_44 = arith.addi %mul3A_30, %add3A_43 : vector<16xi32>
    %swap3A_45 = arith.constant 16 : index
    %swap3A_46 = tpu.vector_load %arg10[%swap3A_45] {strides = array<i32>} : memref<32xi32, #tpu.memory_space<vmem>>, vector<16xi32>,
    %swap3A_47 = vector.shape_cast %swap3A_46 : vector<16xi32> to vector<16xi32>
    %swap3A_48 = vector.shape_cast %add3A_44 : vector<16xi32> to vector<16xi32>
    tpu.vector_store %arg10[%swap3A_45], %swap3A_48 {strides = array<i32>} : memref<32xi32, #tpu.memory_space<vmem>>, vector<16xi32>,
    %dma_start3A = arith.constant 0 : i32
    %dma_start3A_49 = tpu.memref_slice %arg3[%dma_start3A] : memref<188416xf32, #tpu.memory_space<hbm>> -> memref<188416xf32, #tpu.memory_space<hbm>>
    tpu.enqueue_indirect_dma source(%dma_start3A_49 : memref<188416xf32, #tpu.memory_space<hbm>>) target(%arg11 : memref<32xf32, #tpu.memory_space<vmem>>) offsets(%arg8 : memref<32xi32, #tpu.memory_space<vmem>>) semaphore(%arg15 : memref<!tpu.dma_semaphore, #tpu.memory_space<semaphore_mem>>)
    %dma_start3A_50 = arith.constant 0 : i32
    %dma_start3A_51 = tpu.memref_slice %arg3[%dma_start3A_50] : memref<188416xf32, #tpu.memory_space<hbm>> -> memref<188416xf32, #tpu.memory_space<hbm>>
    tpu.enqueue_indirect_dma source(%dma_start3A_51 : memref<188416xf32, #tpu.memory_space<hbm>>) target(%arg12 : memref<32xf32, #tpu.memory_space<vmem>>) offsets(%arg9 : memref<32xi32, #tpu.memory_space<vmem>>) semaphore(%arg15 : memref<!tpu.dma_semaphore, #tpu.memory_space<semaphore_mem>>)
    %dma_start3A_52 = arith.constant 0 : i32
    %dma_start3A_53 = tpu.memref_slice %arg3[%dma_start3A_52] : memref<188416xf32, #tpu.memory_space<hbm>> -> memref<188416xf32, #tpu.memory_space<hbm>>
    tpu.enqueue_indirect_dma source(%dma_start3A_53 : memref<188416xf32, #tpu.memory_space<hbm>>) target(%arg13 : memref<32xf32, #tpu.memory_space<vmem>>) offsets(%arg10 : memref<32xi32, #tpu.memory_space<vmem>>) semaphore(%arg15 : memref<!tpu.dma_semaphore, #tpu.memory_space<semaphore_mem>>)
    %dma_wait3A = arith.constant 0 : i32
    %dma_wait3A_54 = tpu.memref_slice %arg3[%dma_wait3A] : memref<188416xf32, #tpu.memory_space<hbm>> -> memref<188416xf32, #tpu.memory_space<hbm>>
    tpu.wait_indirect_dma semaphore(%arg15 : memref<!tpu.dma_semaphore, #tpu.memory_space<semaphore_mem>>) src(%dma_wait3A_54 : memref<188416xf32, #tpu.memory_space<hbm>>) dst(%arg11 : memref<32xf32, #tpu.memory_space<vmem>>)
    %dma_wait3A_55 = arith.constant 0 : i32
    %dma_wait3A_56 = tpu.memref_slice %arg3[%dma_wait3A_55] : memref<188416xf32, #tpu.memory_space<hbm>> -> memref<188416xf32, #tpu.memory_space<hbm>>
    tpu.wait_indirect_dma semaphore(%arg15 : memref<!tpu.dma_semaphore, #tpu.memory_space<semaphore_mem>>) src(%dma_wait3A_56 : memref<188416xf32, #tpu.memory_space<hbm>>) dst(%arg12 : memref<32xf32, #tpu.memory_space<vmem>>)
    %dma_wait3A_57 = arith.constant 0 : i32
    %dma_wait3A_58 = tpu.memref_slice %arg3[%dma_wait3A_57] : memref<188416xf32, #tpu.memory_space<hbm>> -> memref<188416xf32, #tpu.memory_space<hbm>>
    tpu.wait_indirect_dma semaphore(%arg15 : memref<!tpu.dma_semaphore, #tpu.memory_space<semaphore_mem>>) src(%dma_wait3A_58 : memref<188416xf32, #tpu.memory_space<hbm>>) dst(%arg13 : memref<32xf32, #tpu.memory_space<vmem>>)
    %get3A_59 = arith.constant 0 : index
    %get3A_60 = tpu.vector_load %arg11[%get3A_59] {strides = array<i32>} : memref<32xf32, #tpu.memory_space<vmem>>, vector<16xf32>,
    %get3A_61 = vector.shape_cast %get3A_60 : vector<16xf32> to vector<16xf32>
    %convert_element_type3A = arith.fptosi %get3A_61 : vector<16xf32> to vector<16xi32>
    %swap3A_62 = arith.constant 0 : index
    %swap3A_63 = tpu.vector_load %arg14[%swap3A_62] {strides = array<i32>} : memref<32xi32, #tpu.memory_space<vmem>>, vector<16xi32>,
    %swap3A_64 = vector.shape_cast %swap3A_63 : vector<16xi32> to vector<16xi32>
    %swap3A_65 = vector.shape_cast %convert_element_type3A : vector<16xi32> to vector<16xi32>
    tpu.vector_store %arg14[%swap3A_62], %swap3A_65 {strides = array<i32>} : memref<32xi32, #tpu.memory_space<vmem>>, vector<16xi32>,
    %get3A_66 = arith.constant 16 : index
    %get3A_67 = tpu.vector_load %arg11[%get3A_66] {strides = array<i32>} : memref<32xf32, #tpu.memory_space<vmem>>, vector<16xf32>,
    %get3A_68 = vector.shape_cast %get3A_67 : vector<16xf32> to vector<16xf32>
    %convert_element_type3A_69 = arith.fptosi %get3A_68 : vector<16xf32> to vector<16xi32>
    %swap3A_70 = arith.constant 16 : index
    %swap3A_71 = tpu.vector_load %arg14[%swap3A_70] {strides = array<i32>} : memref<32xi32, #tpu.memory_space<vmem>>, vector<16xi32>,
    %swap3A_72 = vector.shape_cast %swap3A_71 : vector<16xi32> to vector<16xi32>
    %swap3A_73 = vector.shape_cast %convert_element_type3A_69 : vector<16xi32> to vector<16xi32>
    tpu.vector_store %arg14[%swap3A_70], %swap3A_73 {strides = array<i32>} : memref<32xi32, #tpu.memory_space<vmem>>, vector<16xi32>,
    "tpu.region"() ({
      %run_scoped3A_74 = tpu.sem_alloc : memref<!tpu.dma_semaphore, #tpu.memory_space<semaphore_mem>>
      %dma_start3A_75 = tpu.memref_slice %arg4[%mul3A_2] : memref<1024xi32, #tpu.memory_space<hbm>> -> memref<32xi32, #tpu.memory_space<hbm>>
      %dma_start3A_76 = tpu.memref_slice %arg4[%mul3A_2] : memref<1024xi32, #tpu.memory_space<hbm>> -> memref<32xi32, #tpu.memory_space<hbm>>
      tpu.enqueue_dma source(%arg14 : memref<32xi32, #tpu.memory_space<vmem>>) target(%dma_start3A_76 : memref<32xi32, #tpu.memory_space<hbm>>) target_semaphore(%run_scoped3A_74 : memref<!tpu.dma_semaphore, #tpu.memory_space<semaphore_mem>>)
      %dma_wait3A_77 = tpu.memref_slice %arg4[%mul3A_2] : memref<1024xi32, #tpu.memory_space<hbm>> -> memref<32xi32, #tpu.memory_space<hbm>>
      %dma_wait3A_78 = tpu.memref_slice %arg4[%mul3A_2] : memref<1024xi32, #tpu.memory_space<hbm>> -> memref<32xi32, #tpu.memory_space<hbm>>
      tpu.wait_dma2 semaphore(%run_scoped3A_74 : memref<!tpu.dma_semaphore, #tpu.memory_space<semaphore_mem>>) src(%arg14 : memref<32xi32, #tpu.memory_space<vmem>>) dst(%dma_wait3A_78 : memref<32xi32, #tpu.memory_space<hbm>>)
      tpu.yield
    }) : () -> ()
    "tpu.region"() ({
      %run_scoped3A_74 = tpu.sem_alloc : memref<!tpu.dma_semaphore, #tpu.memory_space<semaphore_mem>>
      %dma_start3A_75 = tpu.memref_slice %arg5[%mul3A_2] : memref<1024xf32, #tpu.memory_space<hbm>> -> memref<32xf32, #tpu.memory_space<hbm>>
      %dma_start3A_76 = tpu.memref_slice %arg5[%mul3A_2] : memref<1024xf32, #tpu.memory_space<hbm>> -> memref<32xf32, #tpu.memory_space<hbm>>
      tpu.enqueue_dma source(%arg12 : memref<32xf32, #tpu.memory_space<vmem>>) target(%dma_start3A_76 : memref<32xf32, #tpu.memory_space<hbm>>) target_semaphore(%run_scoped3A_74 : memref<!tpu.dma_semaphore, #tpu.memory_space<semaphore_mem>>)
      %dma_wait3A_77 = tpu.memref_slice %arg5[%mul3A_2] : memref<1024xf32, #tpu.memory_space<hbm>> -> memref<32xf32, #tpu.memory_space<hbm>>
      %dma_wait3A_78 = tpu.memref_slice %arg5[%mul3A_2] : memref<1024xf32, #tpu.memory_space<hbm>> -> memref<32xf32, #tpu.memory_space<hbm>>
      tpu.wait_dma2 semaphore(%run_scoped3A_74 : memref<!tpu.dma_semaphore, #tpu.memory_space<semaphore_mem>>) src(%arg12 : memref<32xf32, #tpu.memory_space<vmem>>) dst(%dma_wait3A_78 : memref<32xf32, #tpu.memory_space<hbm>>)
      tpu.yield
    }) : () -> ()
    "tpu.region"() ({
      %run_scoped3A_74 = tpu.sem_alloc : memref<!tpu.dma_semaphore, #tpu.memory_space<semaphore_mem>>
      %dma_start3A_75 = tpu.memref_slice %arg6[%mul3A_2] : memref<1024xf32, #tpu.memory_space<hbm>> -> memref<32xf32, #tpu.memory_space<hbm>>
      %dma_start3A_76 = tpu.memref_slice %arg6[%mul3A_2] : memref<1024xf32, #tpu.memory_space<hbm>> -> memref<32xf32, #tpu.memory_space<hbm>>
      tpu.enqueue_dma source(%arg13 : memref<32xf32, #tpu.memory_space<vmem>>) target(%dma_start3A_76 : memref<32xf32, #tpu.memory_space<hbm>>) target_semaphore(%run_scoped3A_74 : memref<!tpu.dma_semaphore, #tpu.memory_space<semaphore_mem>>)
      %dma_wait3A_77 = tpu.memref_slice %arg6[%mul3A_2] : memref<1024xf32, #tpu.memory_space<hbm>> -> memref<32xf32, #tpu.memory_space<hbm>>
      %dma_wait3A_78 = tpu.memref_slice %arg6[%mul3A_2] : memref<1024xf32, #tpu.memory_space<hbm>> -> memref<32xf32, #tpu.memory_space<hbm>>
      tpu.wait_dma2 semaphore(%run_scoped3A_74 : memref<!tpu.dma_semaphore, #tpu.memory_space<semaphore_mem>>) src(%arg13 : memref<32xf32, #tpu.memory_space<vmem>>) dst(%dma_wait3A_78 : memref<32xf32, #tpu.memory_space<hbm>>)
      tpu.yield
    }) : () -> ()
    return
  }
}

#map = affine_map<(d0, d1) -> (0, 0)>
module attributes {stable_mosaic.version = 14 : i64} {
  func.func @_sc_scatter_obs(%arg0: i32, %arg1: i32, %arg2: memref<1x1024xi32, #tpu.memory_space<hbm>>, %arg3: memref<1024x1024xf32, #tpu.memory_space<hbm>>, %arg4: memref<1472x1024xf32, #tpu.memory_space<hbm>>, %arg5: memref<4x8xi32, #tpu.memory_space<vmem>>, %arg6: memref<32x1024xf32, #tpu.memory_space<vmem>>, %arg7: memref<!tpu.dma_semaphore, #tpu.memory_space<semaphore_mem>>, %arg8: memref<!tpu.dma_semaphore, #tpu.memory_space<semaphore_mem>>, %arg9: memref<!tpu.dma_semaphore, #tpu.memory_space<semaphore_mem>>, %arg10: memref<!tpu.dma_semaphore, #tpu.memory_space<semaphore_mem>>, %arg11: memref<!tpu.dma_semaphore, #tpu.memory_space<semaphore_mem>>) attributes {dimension_semantics = [#tpu.dimension_semantics<core_parallel>, #tpu.dimension_semantics<subcore_parallel>], iteration_bounds = array<i64: 2, 16>, scalar_prefetch = 0 : i64, scratch_operands = 7 : i64, tpu.core_type = #tpu.core_type<sc_vector_subcore>, window_params = [{transform_indices = #map}, {transform_indices = #map}, {transform_indices = #map}]} {
    %mul3A = arith.constant 2 : i32
    %mul3A_0 = arith.muli %arg1, %mul3A : i32
    %add3A = arith.addi %mul3A_0, %arg0 : i32
    %mul3A_1 = arith.constant 32 : i32
    %mul3A_2 = arith.muli %add3A, %mul3A_1 : i32
    %add3A_3 = arith.constant 0 : i32
    %add3A_4 = arith.addi %mul3A_2, %add3A_3 : i32
    %run_scoped3A = arith.constant 0 : i32
    %run_scoped3A_5 = arith.constant 0 : i32
    "tpu.region"() ({
      %run_scoped3A_184 = tpu.sem_alloc : memref<!tpu.dma_semaphore, #tpu.memory_space<semaphore_mem>>
      %dma_start3A_185 = arith.constant 0 : i32
      %dma_start3A_186 = tpu.memref_slice %arg5[%run_scoped3A_5, %dma_start3A_185] : memref<4x8xi32, #tpu.memory_space<vmem>> -> memref<1x8xi32, #tpu.memory_space<vmem>>
      %dma_start3A_187 = tpu.memref_squeeze %dma_start3A_186 : memref<1x8xi32, #tpu.memory_space<vmem>> -> memref<8xi32, #tpu.memory_space<vmem>>
      %dma_start3A_188 = tpu.memref_slice %arg2[%run_scoped3A, %add3A_4] : memref<1x1024xi32, #tpu.memory_space<hbm>> -> memref<1x8xi32, #tpu.memory_space<hbm>>
      %dma_start3A_189 = tpu.memref_squeeze %dma_start3A_188 : memref<1x8xi32, #tpu.memory_space<hbm>> -> memref<8xi32, #tpu.memory_space<hbm>>
      %dma_start3A_190 = arith.constant 0 : i32
      %dma_start3A_191 = tpu.memref_slice %arg5[%run_scoped3A_5, %dma_start3A_190] : memref<4x8xi32, #tpu.memory_space<vmem>> -> memref<1x8xi32, #tpu.memory_space<vmem>>
      %dma_start3A_192 = tpu.memref_squeeze %dma_start3A_191 : memref<1x8xi32, #tpu.memory_space<vmem>> -> memref<8xi32, #tpu.memory_space<vmem>>
      %dma_start3A_193 = tpu.memref_slice %arg2[%run_scoped3A, %add3A_4] : memref<1x1024xi32, #tpu.memory_space<hbm>> -> memref<1x8xi32, #tpu.memory_space<hbm>>
      %dma_start3A_194 = tpu.memref_squeeze %dma_start3A_193 : memref<1x8xi32, #tpu.memory_space<hbm>> -> memref<8xi32, #tpu.memory_space<hbm>>
      tpu.enqueue_dma source(%dma_start3A_194 : memref<8xi32, #tpu.memory_space<hbm>>) target(%dma_start3A_192 : memref<8xi32, #tpu.memory_space<vmem>>) target_semaphore(%run_scoped3A_184 : memref<!tpu.dma_semaphore, #tpu.memory_space<semaphore_mem>>)
      %dma_wait3A_195 = arith.constant 0 : i32
      %dma_wait3A_196 = tpu.memref_slice %arg5[%run_scoped3A_5, %dma_wait3A_195] : memref<4x8xi32, #tpu.memory_space<vmem>> -> memref<1x8xi32, #tpu.memory_space<vmem>>
      %dma_wait3A_197 = tpu.memref_squeeze %dma_wait3A_196 : memref<1x8xi32, #tpu.memory_space<vmem>> -> memref<8xi32, #tpu.memory_space<vmem>>
      %dma_wait3A_198 = tpu.memref_slice %arg2[%run_scoped3A, %add3A_4] : memref<1x1024xi32, #tpu.memory_space<hbm>> -> memref<1x8xi32, #tpu.memory_space<hbm>>
      %dma_wait3A_199 = tpu.memref_squeeze %dma_wait3A_198 : memref<1x8xi32, #tpu.memory_space<hbm>> -> memref<8xi32, #tpu.memory_space<hbm>>
      %dma_wait3A_200 = arith.constant 0 : i32
      %dma_wait3A_201 = tpu.memref_slice %arg5[%run_scoped3A_5, %dma_wait3A_200] : memref<4x8xi32, #tpu.memory_space<vmem>> -> memref<1x8xi32, #tpu.memory_space<vmem>>
      %dma_wait3A_202 = tpu.memref_squeeze %dma_wait3A_201 : memref<1x8xi32, #tpu.memory_space<vmem>> -> memref<8xi32, #tpu.memory_space<vmem>>
      %dma_wait3A_203 = tpu.memref_slice %arg2[%run_scoped3A, %add3A_4] : memref<1x1024xi32, #tpu.memory_space<hbm>> -> memref<1x8xi32, #tpu.memory_space<hbm>>
      %dma_wait3A_204 = tpu.memref_squeeze %dma_wait3A_203 : memref<1x8xi32, #tpu.memory_space<hbm>> -> memref<8xi32, #tpu.memory_space<hbm>>
      tpu.wait_dma2 semaphore(%run_scoped3A_184 : memref<!tpu.dma_semaphore, #tpu.memory_space<semaphore_mem>>) src(%dma_wait3A_204 : memref<8xi32, #tpu.memory_space<hbm>>) dst(%dma_wait3A_202 : memref<8xi32, #tpu.memory_space<vmem>>)
      tpu.yield
    }) : () -> ()
    %add3A_6 = arith.constant 0 : i32
    %add3A_7 = arith.addi %mul3A_2, %add3A_6 : i32
    %dma_start3A = arith.constant 0 : i32
    %dma_start3A_8 = arith.constant 0 : i32
    %dma_start3A_9 = tpu.memref_slice %arg6[%dma_start3A, %dma_start3A_8] : memref<32x1024xf32, #tpu.memory_space<vmem>> -> memref<8x1024xf32, #tpu.memory_space<vmem>>
    %dma_start3A_10 = arith.constant 0 : i32
    %dma_start3A_11 = tpu.memref_slice %arg3[%add3A_7, %dma_start3A_10] : memref<1024x1024xf32, #tpu.memory_space<hbm>> -> memref<8x1024xf32, #tpu.memory_space<hbm>>
    %dma_start3A_12 = arith.constant 0 : i32
    %dma_start3A_13 = arith.constant 0 : i32
    %dma_start3A_14 = tpu.memref_slice %arg6[%dma_start3A_12, %dma_start3A_13] : memref<32x1024xf32, #tpu.memory_space<vmem>> -> memref<8x1024xf32, #tpu.memory_space<vmem>>
    %dma_start3A_15 = arith.constant 0 : i32
    %dma_start3A_16 = tpu.memref_slice %arg3[%add3A_7, %dma_start3A_15] : memref<1024x1024xf32, #tpu.memory_space<hbm>> -> memref<8x1024xf32, #tpu.memory_space<hbm>>
    tpu.enqueue_dma source(%dma_start3A_16 : memref<8x1024xf32, #tpu.memory_space<hbm>>) target(%dma_start3A_14 : memref<8x1024xf32, #tpu.memory_space<vmem>>) target_semaphore(%arg7 : memref<!tpu.dma_semaphore, #tpu.memory_space<semaphore_mem>>)
    %add3A_17 = arith.constant 8 : i32
    %add3A_18 = arith.addi %mul3A_2, %add3A_17 : i32
    %run_scoped3A_19 = arith.constant 0 : i32
    %run_scoped3A_20 = arith.constant 1 : i32
    "tpu.region"() ({
      %run_scoped3A_184 = tpu.sem_alloc : memref<!tpu.dma_semaphore, #tpu.memory_space<semaphore_mem>>
      %dma_start3A_185 = arith.constant 0 : i32
      %dma_start3A_186 = tpu.memref_slice %arg5[%run_scoped3A_20, %dma_start3A_185] : memref<4x8xi32, #tpu.memory_space<vmem>> -> memref<1x8xi32, #tpu.memory_space<vmem>>
      %dma_start3A_187 = tpu.memref_squeeze %dma_start3A_186 : memref<1x8xi32, #tpu.memory_space<vmem>> -> memref<8xi32, #tpu.memory_space<vmem>>
      %dma_start3A_188 = tpu.memref_slice %arg2[%run_scoped3A_19, %add3A_18] : memref<1x1024xi32, #tpu.memory_space<hbm>> -> memref<1x8xi32, #tpu.memory_space<hbm>>
      %dma_start3A_189 = tpu.memref_squeeze %dma_start3A_188 : memref<1x8xi32, #tpu.memory_space<hbm>> -> memref<8xi32, #tpu.memory_space<hbm>>
      %dma_start3A_190 = arith.constant 0 : i32
      %dma_start3A_191 = tpu.memref_slice %arg5[%run_scoped3A_20, %dma_start3A_190] : memref<4x8xi32, #tpu.memory_space<vmem>> -> memref<1x8xi32, #tpu.memory_space<vmem>>
      %dma_start3A_192 = tpu.memref_squeeze %dma_start3A_191 : memref<1x8xi32, #tpu.memory_space<vmem>> -> memref<8xi32, #tpu.memory_space<vmem>>
      %dma_start3A_193 = tpu.memref_slice %arg2[%run_scoped3A_19, %add3A_18] : memref<1x1024xi32, #tpu.memory_space<hbm>> -> memref<1x8xi32, #tpu.memory_space<hbm>>
      %dma_start3A_194 = tpu.memref_squeeze %dma_start3A_193 : memref<1x8xi32, #tpu.memory_space<hbm>> -> memref<8xi32, #tpu.memory_space<hbm>>
      tpu.enqueue_dma source(%dma_start3A_194 : memref<8xi32, #tpu.memory_space<hbm>>) target(%dma_start3A_192 : memref<8xi32, #tpu.memory_space<vmem>>) target_semaphore(%run_scoped3A_184 : memref<!tpu.dma_semaphore, #tpu.memory_space<semaphore_mem>>)
      %dma_wait3A_195 = arith.constant 0 : i32
      %dma_wait3A_196 = tpu.memref_slice %arg5[%run_scoped3A_20, %dma_wait3A_195] : memref<4x8xi32, #tpu.memory_space<vmem>> -> memref<1x8xi32, #tpu.memory_space<vmem>>
      %dma_wait3A_197 = tpu.memref_squeeze %dma_wait3A_196 : memref<1x8xi32, #tpu.memory_space<vmem>> -> memref<8xi32, #tpu.memory_space<vmem>>
      %dma_wait3A_198 = tpu.memref_slice %arg2[%run_scoped3A_19, %add3A_18] : memref<1x1024xi32, #tpu.memory_space<hbm>> -> memref<1x8xi32, #tpu.memory_space<hbm>>
      %dma_wait3A_199 = tpu.memref_squeeze %dma_wait3A_198 : memref<1x8xi32, #tpu.memory_space<hbm>> -> memref<8xi32, #tpu.memory_space<hbm>>
      %dma_wait3A_200 = arith.constant 0 : i32
      %dma_wait3A_201 = tpu.memref_slice %arg5[%run_scoped3A_20, %dma_wait3A_200] : memref<4x8xi32, #tpu.memory_space<vmem>> -> memref<1x8xi32, #tpu.memory_space<vmem>>
      %dma_wait3A_202 = tpu.memref_squeeze %dma_wait3A_201 : memref<1x8xi32, #tpu.memory_space<vmem>> -> memref<8xi32, #tpu.memory_space<vmem>>
      %dma_wait3A_203 = tpu.memref_slice %arg2[%run_scoped3A_19, %add3A_18] : memref<1x1024xi32, #tpu.memory_space<hbm>> -> memref<1x8xi32, #tpu.memory_space<hbm>>
      %dma_wait3A_204 = tpu.memref_squeeze %dma_wait3A_203 : memref<1x8xi32, #tpu.memory_space<hbm>> -> memref<8xi32, #tpu.memory_space<hbm>>
      tpu.wait_dma2 semaphore(%run_scoped3A_184 : memref<!tpu.dma_semaphore, #tpu.memory_space<semaphore_mem>>) src(%dma_wait3A_204 : memref<8xi32, #tpu.memory_space<hbm>>) dst(%dma_wait3A_202 : memref<8xi32, #tpu.memory_space<vmem>>)
      tpu.yield
    }) : () -> ()
    %add3A_21 = arith.constant 8 : i32
    %add3A_22 = arith.addi %mul3A_2, %add3A_21 : i32
    %dma_start3A_23 = arith.constant 8 : i32
    %dma_start3A_24 = arith.constant 0 : i32
    %dma_start3A_25 = tpu.memref_slice %arg6[%dma_start3A_23, %dma_start3A_24] : memref<32x1024xf32, #tpu.memory_space<vmem>> -> memref<8x1024xf32, #tpu.memory_space<vmem>>
    %dma_start3A_26 = arith.constant 0 : i32
    %dma_start3A_27 = tpu.memref_slice %arg3[%add3A_22, %dma_start3A_26] : memref<1024x1024xf32, #tpu.memory_space<hbm>> -> memref<8x1024xf32, #tpu.memory_space<hbm>>
    %dma_start3A_28 = arith.constant 8 : i32
    %dma_start3A_29 = arith.constant 0 : i32
    %dma_start3A_30 = tpu.memref_slice %arg6[%dma_start3A_28, %dma_start3A_29] : memref<32x1024xf32, #tpu.memory_space<vmem>> -> memref<8x1024xf32, #tpu.memory_space<vmem>>
    %dma_start3A_31 = arith.constant 0 : i32
    %dma_start3A_32 = tpu.memref_slice %arg3[%add3A_22, %dma_start3A_31] : memref<1024x1024xf32, #tpu.memory_space<hbm>> -> memref<8x1024xf32, #tpu.memory_space<hbm>>
    tpu.enqueue_dma source(%dma_start3A_32 : memref<8x1024xf32, #tpu.memory_space<hbm>>) target(%dma_start3A_30 : memref<8x1024xf32, #tpu.memory_space<vmem>>) target_semaphore(%arg8 : memref<!tpu.dma_semaphore, #tpu.memory_space<semaphore_mem>>)
    %add3A_33 = arith.constant 16 : i32
    %add3A_34 = arith.addi %mul3A_2, %add3A_33 : i32
    %run_scoped3A_35 = arith.constant 0 : i32
    %run_scoped3A_36 = arith.constant 2 : i32
    "tpu.region"() ({
      %run_scoped3A_184 = tpu.sem_alloc : memref<!tpu.dma_semaphore, #tpu.memory_space<semaphore_mem>>
      %dma_start3A_185 = arith.constant 0 : i32
      %dma_start3A_186 = tpu.memref_slice %arg5[%run_scoped3A_36, %dma_start3A_185] : memref<4x8xi32, #tpu.memory_space<vmem>> -> memref<1x8xi32, #tpu.memory_space<vmem>>
      %dma_start3A_187 = tpu.memref_squeeze %dma_start3A_186 : memref<1x8xi32, #tpu.memory_space<vmem>> -> memref<8xi32, #tpu.memory_space<vmem>>
      %dma_start3A_188 = tpu.memref_slice %arg2[%run_scoped3A_35, %add3A_34] : memref<1x1024xi32, #tpu.memory_space<hbm>> -> memref<1x8xi32, #tpu.memory_space<hbm>>
      %dma_start3A_189 = tpu.memref_squeeze %dma_start3A_188 : memref<1x8xi32, #tpu.memory_space<hbm>> -> memref<8xi32, #tpu.memory_space<hbm>>
      %dma_start3A_190 = arith.constant 0 : i32
      %dma_start3A_191 = tpu.memref_slice %arg5[%run_scoped3A_36, %dma_start3A_190] : memref<4x8xi32, #tpu.memory_space<vmem>> -> memref<1x8xi32, #tpu.memory_space<vmem>>
      %dma_start3A_192 = tpu.memref_squeeze %dma_start3A_191 : memref<1x8xi32, #tpu.memory_space<vmem>> -> memref<8xi32, #tpu.memory_space<vmem>>
      %dma_start3A_193 = tpu.memref_slice %arg2[%run_scoped3A_35, %add3A_34] : memref<1x1024xi32, #tpu.memory_space<hbm>> -> memref<1x8xi32, #tpu.memory_space<hbm>>
      %dma_start3A_194 = tpu.memref_squeeze %dma_start3A_193 : memref<1x8xi32, #tpu.memory_space<hbm>> -> memref<8xi32, #tpu.memory_space<hbm>>
      tpu.enqueue_dma source(%dma_start3A_194 : memref<8xi32, #tpu.memory_space<hbm>>) target(%dma_start3A_192 : memref<8xi32, #tpu.memory_space<vmem>>) target_semaphore(%run_scoped3A_184 : memref<!tpu.dma_semaphore, #tpu.memory_space<semaphore_mem>>)
      %dma_wait3A_195 = arith.constant 0 : i32
      %dma_wait3A_196 = tpu.memref_slice %arg5[%run_scoped3A_36, %dma_wait3A_195] : memref<4x8xi32, #tpu.memory_space<vmem>> -> memref<1x8xi32, #tpu.memory_space<vmem>>
      %dma_wait3A_197 = tpu.memref_squeeze %dma_wait3A_196 : memref<1x8xi32, #tpu.memory_space<vmem>> -> memref<8xi32, #tpu.memory_space<vmem>>
      %dma_wait3A_198 = tpu.memref_slice %arg2[%run_scoped3A_35, %add3A_34] : memref<1x1024xi32, #tpu.memory_space<hbm>> -> memref<1x8xi32, #tpu.memory_space<hbm>>
      %dma_wait3A_199 = tpu.memref_squeeze %dma_wait3A_198 : memref<1x8xi32, #tpu.memory_space<hbm>> -> memref<8xi32, #tpu.memory_space<hbm>>
      %dma_wait3A_200 = arith.constant 0 : i32
      %dma_wait3A_201 = tpu.memref_slice %arg5[%run_scoped3A_36, %dma_wait3A_200] : memref<4x8xi32, #tpu.memory_space<vmem>> -> memref<1x8xi32, #tpu.memory_space<vmem>>
      %dma_wait3A_202 = tpu.memref_squeeze %dma_wait3A_201 : memref<1x8xi32, #tpu.memory_space<vmem>> -> memref<8xi32, #tpu.memory_space<vmem>>
      %dma_wait3A_203 = tpu.memref_slice %arg2[%run_scoped3A_35, %add3A_34] : memref<1x1024xi32, #tpu.memory_space<hbm>> -> memref<1x8xi32, #tpu.memory_space<hbm>>
      %dma_wait3A_204 = tpu.memref_squeeze %dma_wait3A_203 : memref<1x8xi32, #tpu.memory_space<hbm>> -> memref<8xi32, #tpu.memory_space<hbm>>
      tpu.wait_dma2 semaphore(%run_scoped3A_184 : memref<!tpu.dma_semaphore, #tpu.memory_space<semaphore_mem>>) src(%dma_wait3A_204 : memref<8xi32, #tpu.memory_space<hbm>>) dst(%dma_wait3A_202 : memref<8xi32, #tpu.memory_space<vmem>>)
      tpu.yield
    }) : () -> ()
    %add3A_37 = arith.constant 16 : i32
    %add3A_38 = arith.addi %mul3A_2, %add3A_37 : i32
    %dma_start3A_39 = arith.constant 16 : i32
    %dma_start3A_40 = arith.constant 0 : i32
    %dma_start3A_41 = tpu.memref_slice %arg6[%dma_start3A_39, %dma_start3A_40] : memref<32x1024xf32, #tpu.memory_space<vmem>> -> memref<8x1024xf32, #tpu.memory_space<vmem>>
    %dma_start3A_42 = arith.constant 0 : i32
    %dma_start3A_43 = tpu.memref_slice %arg3[%add3A_38, %dma_start3A_42] : memref<1024x1024xf32, #tpu.memory_space<hbm>> -> memref<8x1024xf32, #tpu.memory_space<hbm>>
    %dma_start3A_44 = arith.constant 16 : i32
    %dma_start3A_45 = arith.constant 0 : i32
    %dma_start3A_46 = tpu.memref_slice %arg6[%dma_start3A_44, %dma_start3A_45] : memref<32x1024xf32, #tpu.memory_space<vmem>> -> memref<8x1024xf32, #tpu.memory_space<vmem>>
    %dma_start3A_47 = arith.constant 0 : i32
    %dma_start3A_48 = tpu.memref_slice %arg3[%add3A_38, %dma_start3A_47] : memref<1024x1024xf32, #tpu.memory_space<hbm>> -> memref<8x1024xf32, #tpu.memory_space<hbm>>
    tpu.enqueue_dma source(%dma_start3A_48 : memref<8x1024xf32, #tpu.memory_space<hbm>>) target(%dma_start3A_46 : memref<8x1024xf32, #tpu.memory_space<vmem>>) target_semaphore(%arg9 : memref<!tpu.dma_semaphore, #tpu.memory_space<semaphore_mem>>)
    %add3A_49 = arith.constant 24 : i32
    %add3A_50 = arith.addi %mul3A_2, %add3A_49 : i32
    %run_scoped3A_51 = arith.constant 0 : i32
    %run_scoped3A_52 = arith.constant 3 : i32
    "tpu.region"() ({
      %run_scoped3A_184 = tpu.sem_alloc : memref<!tpu.dma_semaphore, #tpu.memory_space<semaphore_mem>>
      %dma_start3A_185 = arith.constant 0 : i32
      %dma_start3A_186 = tpu.memref_slice %arg5[%run_scoped3A_52, %dma_start3A_185] : memref<4x8xi32, #tpu.memory_space<vmem>> -> memref<1x8xi32, #tpu.memory_space<vmem>>
      %dma_start3A_187 = tpu.memref_squeeze %dma_start3A_186 : memref<1x8xi32, #tpu.memory_space<vmem>> -> memref<8xi32, #tpu.memory_space<vmem>>
      %dma_start3A_188 = tpu.memref_slice %arg2[%run_scoped3A_51, %add3A_50] : memref<1x1024xi32, #tpu.memory_space<hbm>> -> memref<1x8xi32, #tpu.memory_space<hbm>>
      %dma_start3A_189 = tpu.memref_squeeze %dma_start3A_188 : memref<1x8xi32, #tpu.memory_space<hbm>> -> memref<8xi32, #tpu.memory_space<hbm>>
      %dma_start3A_190 = arith.constant 0 : i32
      %dma_start3A_191 = tpu.memref_slice %arg5[%run_scoped3A_52, %dma_start3A_190] : memref<4x8xi32, #tpu.memory_space<vmem>> -> memref<1x8xi32, #tpu.memory_space<vmem>>
      %dma_start3A_192 = tpu.memref_squeeze %dma_start3A_191 : memref<1x8xi32, #tpu.memory_space<vmem>> -> memref<8xi32, #tpu.memory_space<vmem>>
      %dma_start3A_193 = tpu.memref_slice %arg2[%run_scoped3A_51, %add3A_50] : memref<1x1024xi32, #tpu.memory_space<hbm>> -> memref<1x8xi32, #tpu.memory_space<hbm>>
      %dma_start3A_194 = tpu.memref_squeeze %dma_start3A_193 : memref<1x8xi32, #tpu.memory_space<hbm>> -> memref<8xi32, #tpu.memory_space<hbm>>
      tpu.enqueue_dma source(%dma_start3A_194 : memref<8xi32, #tpu.memory_space<hbm>>) target(%dma_start3A_192 : memref<8xi32, #tpu.memory_space<vmem>>) target_semaphore(%run_scoped3A_184 : memref<!tpu.dma_semaphore, #tpu.memory_space<semaphore_mem>>)
      %dma_wait3A_195 = arith.constant 0 : i32
      %dma_wait3A_196 = tpu.memref_slice %arg5[%run_scoped3A_52, %dma_wait3A_195] : memref<4x8xi32, #tpu.memory_space<vmem>> -> memref<1x8xi32, #tpu.memory_space<vmem>>
      %dma_wait3A_197 = tpu.memref_squeeze %dma_wait3A_196 : memref<1x8xi32, #tpu.memory_space<vmem>> -> memref<8xi32, #tpu.memory_space<vmem>>
      %dma_wait3A_198 = tpu.memref_slice %arg2[%run_scoped3A_51, %add3A_50] : memref<1x1024xi32, #tpu.memory_space<hbm>> -> memref<1x8xi32, #tpu.memory_space<hbm>>
      %dma_wait3A_199 = tpu.memref_squeeze %dma_wait3A_198 : memref<1x8xi32, #tpu.memory_space<hbm>> -> memref<8xi32, #tpu.memory_space<hbm>>
      %dma_wait3A_200 = arith.constant 0 : i32
      %dma_wait3A_201 = tpu.memref_slice %arg5[%run_scoped3A_52, %dma_wait3A_200] : memref<4x8xi32, #tpu.memory_space<vmem>> -> memref<1x8xi32, #tpu.memory_space<vmem>>
      %dma_wait3A_202 = tpu.memref_squeeze %dma_wait3A_201 : memref<1x8xi32, #tpu.memory_space<vmem>> -> memref<8xi32, #tpu.memory_space<vmem>>
      %dma_wait3A_203 = tpu.memref_slice %arg2[%run_scoped3A_51, %add3A_50] : memref<1x1024xi32, #tpu.memory_space<hbm>> -> memref<1x8xi32, #tpu.memory_space<hbm>>
      %dma_wait3A_204 = tpu.memref_squeeze %dma_wait3A_203 : memref<1x8xi32, #tpu.memory_space<hbm>> -> memref<8xi32, #tpu.memory_space<hbm>>
      tpu.wait_dma2 semaphore(%run_scoped3A_184 : memref<!tpu.dma_semaphore, #tpu.memory_space<semaphore_mem>>) src(%dma_wait3A_204 : memref<8xi32, #tpu.memory_space<hbm>>) dst(%dma_wait3A_202 : memref<8xi32, #tpu.memory_space<vmem>>)
      tpu.yield
    }) : () -> ()
    %add3A_53 = arith.constant 24 : i32
    %add3A_54 = arith.addi %mul3A_2, %add3A_53 : i32
    %dma_start3A_55 = arith.constant 24 : i32
    %dma_start3A_56 = arith.constant 0 : i32
    %dma_start3A_57 = tpu.memref_slice %arg6[%dma_start3A_55, %dma_start3A_56] : memref<32x1024xf32, #tpu.memory_space<vmem>> -> memref<8x1024xf32, #tpu.memory_space<vmem>>
    %dma_start3A_58 = arith.constant 0 : i32
    %dma_start3A_59 = tpu.memref_slice %arg3[%add3A_54, %dma_start3A_58] : memref<1024x1024xf32, #tpu.memory_space<hbm>> -> memref<8x1024xf32, #tpu.memory_space<hbm>>
    %dma_start3A_60 = arith.constant 24 : i32
    %dma_start3A_61 = arith.constant 0 : i32
    %dma_start3A_62 = tpu.memref_slice %arg6[%dma_start3A_60, %dma_start3A_61] : memref<32x1024xf32, #tpu.memory_space<vmem>> -> memref<8x1024xf32, #tpu.memory_space<vmem>>
    %dma_start3A_63 = arith.constant 0 : i32
    %dma_start3A_64 = tpu.memref_slice %arg3[%add3A_54, %dma_start3A_63] : memref<1024x1024xf32, #tpu.memory_space<hbm>> -> memref<8x1024xf32, #tpu.memory_space<hbm>>
    tpu.enqueue_dma source(%dma_start3A_64 : memref<8x1024xf32, #tpu.memory_space<hbm>>) target(%dma_start3A_62 : memref<8x1024xf32, #tpu.memory_space<vmem>>) target_semaphore(%arg10 : memref<!tpu.dma_semaphore, #tpu.memory_space<semaphore_mem>>)
    %dma_wait3A = arith.constant 0 : i32
    %dma_wait3A_65 = arith.constant 0 : i32
    %dma_wait3A_66 = tpu.memref_slice %arg6[%dma_wait3A, %dma_wait3A_65] : memref<32x1024xf32, #tpu.memory_space<vmem>> -> memref<8x1024xf32, #tpu.memory_space<vmem>>
    %dma_wait3A_67 = arith.constant 0 : i32
    %dma_wait3A_68 = tpu.memref_slice %arg3[%add3A_7, %dma_wait3A_67] : memref<1024x1024xf32, #tpu.memory_space<hbm>> -> memref<8x1024xf32, #tpu.memory_space<hbm>>
    %dma_wait3A_69 = arith.constant 0 : i32
    %dma_wait3A_70 = arith.constant 0 : i32
    %dma_wait3A_71 = tpu.memref_slice %arg6[%dma_wait3A_69, %dma_wait3A_70] : memref<32x1024xf32, #tpu.memory_space<vmem>> -> memref<8x1024xf32, #tpu.memory_space<vmem>>
    %dma_wait3A_72 = arith.constant 0 : i32
    %dma_wait3A_73 = tpu.memref_slice %arg3[%add3A_7, %dma_wait3A_72] : memref<1024x1024xf32, #tpu.memory_space<hbm>> -> memref<8x1024xf32, #tpu.memory_space<hbm>>
    tpu.wait_dma2 semaphore(%arg7 : memref<!tpu.dma_semaphore, #tpu.memory_space<semaphore_mem>>) src(%dma_wait3A_73 : memref<8x1024xf32, #tpu.memory_space<hbm>>) dst(%dma_wait3A_71 : memref<8x1024xf32, #tpu.memory_space<vmem>>)
    %dma_start3A_74 = arith.constant 0 : i32
    %dma_start3A_75 = arith.constant 0 : i32
    %dma_start3A_76 = arith.constant 0 : i32
    %dma_start3A_77 = tpu.memref_slice %arg6[%dma_start3A_75, %dma_start3A_76] : memref<32x1024xf32, #tpu.memory_space<vmem>> -> memref<8x1024xf32, #tpu.memory_space<vmem>>
    %dma_start3A_78 = arith.constant 0 : i32
    %dma_start3A_79 = tpu.memref_slice %arg5[%dma_start3A_74, %dma_start3A_78] : memref<4x8xi32, #tpu.memory_space<vmem>> -> memref<1x8xi32, #tpu.memory_space<vmem>>
    %dma_start3A_80 = tpu.memref_squeeze %dma_start3A_79 : memref<1x8xi32, #tpu.memory_space<vmem>> -> memref<8xi32, #tpu.memory_space<vmem>>
    %dma_start3A_81 = arith.constant 0 : i32
    %dma_start3A_82 = arith.constant 0 : i32
    %dma_start3A_83 = tpu.memref_slice %arg4[%dma_start3A_81, %dma_start3A_82] : memref<1472x1024xf32, #tpu.memory_space<hbm>> -> memref<1472x1024xf32, #tpu.memory_space<hbm>>
    tpu.enqueue_indirect_dma source(%dma_start3A_77 : memref<8x1024xf32, #tpu.memory_space<vmem>>) target(%dma_start3A_83 : memref<1472x1024xf32, #tpu.memory_space<hbm>>) offsets(%dma_start3A_80 : memref<8xi32, #tpu.memory_space<vmem>>) semaphore(%arg11 : memref<!tpu.dma_semaphore, #tpu.memory_space<semaphore_mem>>)
    %dma_wait3A_84 = arith.constant 8 : i32
    %dma_wait3A_85 = arith.constant 0 : i32
    %dma_wait3A_86 = tpu.memref_slice %arg6[%dma_wait3A_84, %dma_wait3A_85] : memref<32x1024xf32, #tpu.memory_space<vmem>> -> memref<8x1024xf32, #tpu.memory_space<vmem>>
    %dma_wait3A_87 = arith.constant 0 : i32
    %dma_wait3A_88 = tpu.memref_slice %arg3[%add3A_22, %dma_wait3A_87] : memref<1024x1024xf32, #tpu.memory_space<hbm>> -> memref<8x1024xf32, #tpu.memory_space<hbm>>
    %dma_wait3A_89 = arith.constant 8 : i32
    %dma_wait3A_90 = arith.constant 0 : i32
    %dma_wait3A_91 = tpu.memref_slice %arg6[%dma_wait3A_89, %dma_wait3A_90] : memref<32x1024xf32, #tpu.memory_space<vmem>> -> memref<8x1024xf32, #tpu.memory_space<vmem>>
    %dma_wait3A_92 = arith.constant 0 : i32
    %dma_wait3A_93 = tpu.memref_slice %arg3[%add3A_22, %dma_wait3A_92] : memref<1024x1024xf32, #tpu.memory_space<hbm>> -> memref<8x1024xf32, #tpu.memory_space<hbm>>
    tpu.wait_dma2 semaphore(%arg8 : memref<!tpu.dma_semaphore, #tpu.memory_space<semaphore_mem>>) src(%dma_wait3A_93 : memref<8x1024xf32, #tpu.memory_space<hbm>>) dst(%dma_wait3A_91 : memref<8x1024xf32, #tpu.memory_space<vmem>>)
    %dma_start3A_94 = arith.constant 1 : i32
    %dma_start3A_95 = arith.constant 8 : i32
    %dma_start3A_96 = arith.constant 0 : i32
    %dma_start3A_97 = tpu.memref_slice %arg6[%dma_start3A_95, %dma_start3A_96] : memref<32x1024xf32, #tpu.memory_space<vmem>> -> memref<8x1024xf32, #tpu.memory_space<vmem>>
    %dma_start3A_98 = arith.constant 0 : i32
    %dma_start3A_99 = tpu.memref_slice %arg5[%dma_start3A_94, %dma_start3A_98] : memref<4x8xi32, #tpu.memory_space<vmem>> -> memref<1x8xi32, #tpu.memory_space<vmem>>
    %dma_start3A_100 = tpu.memref_squeeze %dma_start3A_99 : memref<1x8xi32, #tpu.memory_space<vmem>> -> memref<8xi32, #tpu.memory_space<vmem>>
    %dma_start3A_101 = arith.constant 0 : i32
    %dma_start3A_102 = arith.constant 0 : i32
    %dma_start3A_103 = tpu.memref_slice %arg4[%dma_start3A_101, %dma_start3A_102] : memref<1472x1024xf32, #tpu.memory_space<hbm>> -> memref<1472x1024xf32, #tpu.memory_space<hbm>>
    tpu.enqueue_indirect_dma source(%dma_start3A_97 : memref<8x1024xf32, #tpu.memory_space<vmem>>) target(%dma_start3A_103 : memref<1472x1024xf32, #tpu.memory_space<hbm>>) offsets(%dma_start3A_100 : memref<8xi32, #tpu.memory_space<vmem>>) semaphore(%arg11 : memref<!tpu.dma_semaphore, #tpu.memory_space<semaphore_mem>>)
    %dma_wait3A_104 = arith.constant 16 : i32
    %dma_wait3A_105 = arith.constant 0 : i32
    %dma_wait3A_106 = tpu.memref_slice %arg6[%dma_wait3A_104, %dma_wait3A_105] : memref<32x1024xf32, #tpu.memory_space<vmem>> -> memref<8x1024xf32, #tpu.memory_space<vmem>>
    %dma_wait3A_107 = arith.constant 0 : i32
    %dma_wait3A_108 = tpu.memref_slice %arg3[%add3A_38, %dma_wait3A_107] : memref<1024x1024xf32, #tpu.memory_space<hbm>> -> memref<8x1024xf32, #tpu.memory_space<hbm>>
    %dma_wait3A_109 = arith.constant 16 : i32
    %dma_wait3A_110 = arith.constant 0 : i32
    %dma_wait3A_111 = tpu.memref_slice %arg6[%dma_wait3A_109, %dma_wait3A_110] : memref<32x1024xf32, #tpu.memory_space<vmem>> -> memref<8x1024xf32, #tpu.memory_space<vmem>>
    %dma_wait3A_112 = arith.constant 0 : i32
    %dma_wait3A_113 = tpu.memref_slice %arg3[%add3A_38, %dma_wait3A_112] : memref<1024x1024xf32, #tpu.memory_space<hbm>> -> memref<8x1024xf32, #tpu.memory_space<hbm>>
    tpu.wait_dma2 semaphore(%arg9 : memref<!tpu.dma_semaphore, #tpu.memory_space<semaphore_mem>>) src(%dma_wait3A_113 : memref<8x1024xf32, #tpu.memory_space<hbm>>) dst(%dma_wait3A_111 : memref<8x1024xf32, #tpu.memory_space<vmem>>)
    %dma_start3A_114 = arith.constant 2 : i32
    %dma_start3A_115 = arith.constant 16 : i32
    %dma_start3A_116 = arith.constant 0 : i32
    %dma_start3A_117 = tpu.memref_slice %arg6[%dma_start3A_115, %dma_start3A_116] : memref<32x1024xf32, #tpu.memory_space<vmem>> -> memref<8x1024xf32, #tpu.memory_space<vmem>>
    %dma_start3A_118 = arith.constant 0 : i32
    %dma_start3A_119 = tpu.memref_slice %arg5[%dma_start3A_114, %dma_start3A_118] : memref<4x8xi32, #tpu.memory_space<vmem>> -> memref<1x8xi32, #tpu.memory_space<vmem>>
    %dma_start3A_120 = tpu.memref_squeeze %dma_start3A_119 : memref<1x8xi32, #tpu.memory_space<vmem>> -> memref<8xi32, #tpu.memory_space<vmem>>
    %dma_start3A_121 = arith.constant 0 : i32
    %dma_start3A_122 = arith.constant 0 : i32
    %dma_start3A_123 = tpu.memref_slice %arg4[%dma_start3A_121, %dma_start3A_122] : memref<1472x1024xf32, #tpu.memory_space<hbm>> -> memref<1472x1024xf32, #tpu.memory_space<hbm>>
    tpu.enqueue_indirect_dma source(%dma_start3A_117 : memref<8x1024xf32, #tpu.memory_space<vmem>>) target(%dma_start3A_123 : memref<1472x1024xf32, #tpu.memory_space<hbm>>) offsets(%dma_start3A_120 : memref<8xi32, #tpu.memory_space<vmem>>) semaphore(%arg11 : memref<!tpu.dma_semaphore, #tpu.memory_space<semaphore_mem>>)
    %dma_wait3A_124 = arith.constant 24 : i32
    %dma_wait3A_125 = arith.constant 0 : i32
    %dma_wait3A_126 = tpu.memref_slice %arg6[%dma_wait3A_124, %dma_wait3A_125] : memref<32x1024xf32, #tpu.memory_space<vmem>> -> memref<8x1024xf32, #tpu.memory_space<vmem>>
    %dma_wait3A_127 = arith.constant 0 : i32
    %dma_wait3A_128 = tpu.memref_slice %arg3[%add3A_54, %dma_wait3A_127] : memref<1024x1024xf32, #tpu.memory_space<hbm>> -> memref<8x1024xf32, #tpu.memory_space<hbm>>
    %dma_wait3A_129 = arith.constant 24 : i32
    %dma_wait3A_130 = arith.constant 0 : i32
    %dma_wait3A_131 = tpu.memref_slice %arg6[%dma_wait3A_129, %dma_wait3A_130] : memref<32x1024xf32, #tpu.memory_space<vmem>> -> memref<8x1024xf32, #tpu.memory_space<vmem>>
    %dma_wait3A_132 = arith.constant 0 : i32
    %dma_wait3A_133 = tpu.memref_slice %arg3[%add3A_54, %dma_wait3A_132] : memref<1024x1024xf32, #tpu.memory_space<hbm>> -> memref<8x1024xf32, #tpu.memory_space<hbm>>
    tpu.wait_dma2 semaphore(%arg10 : memref<!tpu.dma_semaphore, #tpu.memory_space<semaphore_mem>>) src(%dma_wait3A_133 : memref<8x1024xf32, #tpu.memory_space<hbm>>) dst(%dma_wait3A_131 : memref<8x1024xf32, #tpu.memory_space<vmem>>)
    %dma_start3A_134 = arith.constant 3 : i32
    %dma_start3A_135 = arith.constant 24 : i32
    %dma_start3A_136 = arith.constant 0 : i32
    %dma_start3A_137 = tpu.memref_slice %arg6[%dma_start3A_135, %dma_start3A_136] : memref<32x1024xf32, #tpu.memory_space<vmem>> -> memref<8x1024xf32, #tpu.memory_space<vmem>>
    %dma_start3A_138 = arith.constant 0 : i32
    %dma_start3A_139 = tpu.memref_slice %arg5[%dma_start3A_134, %dma_start3A_138] : memref<4x8xi32, #tpu.memory_space<vmem>> -> memref<1x8xi32, #tpu.memory_space<vmem>>
    %dma_start3A_140 = tpu.memref_squeeze %dma_start3A_139 : memref<1x8xi32, #tpu.memory_space<vmem>> -> memref<8xi32, #tpu.memory_space<vmem>>
    %dma_start3A_141 = arith.constant 0 : i32
    %dma_start3A_142 = arith.constant 0 : i32
    %dma_start3A_143 = tpu.memref_slice %arg4[%dma_start3A_141, %dma_start3A_142] : memref<1472x1024xf32, #tpu.memory_space<hbm>> -> memref<1472x1024xf32, #tpu.memory_space<hbm>>
    tpu.enqueue_indirect_dma source(%dma_start3A_137 : memref<8x1024xf32, #tpu.memory_space<vmem>>) target(%dma_start3A_143 : memref<1472x1024xf32, #tpu.memory_space<hbm>>) offsets(%dma_start3A_140 : memref<8xi32, #tpu.memory_space<vmem>>) semaphore(%arg11 : memref<!tpu.dma_semaphore, #tpu.memory_space<semaphore_mem>>)
    %dma_wait3A_144 = arith.constant 0 : i32
    %dma_wait3A_145 = arith.constant 0 : i32
    %dma_wait3A_146 = arith.constant 0 : i32
    %dma_wait3A_147 = tpu.memref_slice %arg6[%dma_wait3A_145, %dma_wait3A_146] : memref<32x1024xf32, #tpu.memory_space<vmem>> -> memref<8x1024xf32, #tpu.memory_space<vmem>>
    %dma_wait3A_148 = arith.constant 0 : i32
    %dma_wait3A_149 = tpu.memref_slice %arg5[%dma_wait3A_144, %dma_wait3A_148] : memref<4x8xi32, #tpu.memory_space<vmem>> -> memref<1x8xi32, #tpu.memory_space<vmem>>
    %dma_wait3A_150 = tpu.memref_squeeze %dma_wait3A_149 : memref<1x8xi32, #tpu.memory_space<vmem>> -> memref<8xi32, #tpu.memory_space<vmem>>
    %dma_wait3A_151 = arith.constant 0 : i32
    %dma_wait3A_152 = arith.constant 0 : i32
    %dma_wait3A_153 = tpu.memref_slice %arg4[%dma_wait3A_151, %dma_wait3A_152] : memref<1472x1024xf32, #tpu.memory_space<hbm>> -> memref<1472x1024xf32, #tpu.memory_space<hbm>>
    tpu.wait_indirect_dma semaphore(%arg11 : memref<!tpu.dma_semaphore, #tpu.memory_space<semaphore_mem>>) src(%dma_wait3A_147 : memref<8x1024xf32, #tpu.memory_space<vmem>>) dst(%dma_wait3A_153 : memref<1472x1024xf32, #tpu.memory_space<hbm>>)
    %dma_wait3A_154 = arith.constant 1 : i32
    %dma_wait3A_155 = arith.constant 8 : i32
    %dma_wait3A_156 = arith.constant 0 : i32
    %dma_wait3A_157 = tpu.memref_slice %arg6[%dma_wait3A_155, %dma_wait3A_156] : memref<32x1024xf32, #tpu.memory_space<vmem>> -> memref<8x1024xf32, #tpu.memory_space<vmem>>
    %dma_wait3A_158 = arith.constant 0 : i32
    %dma_wait3A_159 = tpu.memref_slice %arg5[%dma_wait3A_154, %dma_wait3A_158] : memref<4x8xi32, #tpu.memory_space<vmem>> -> memref<1x8xi32, #tpu.memory_space<vmem>>
    %dma_wait3A_160 = tpu.memref_squeeze %dma_wait3A_159 : memref<1x8xi32, #tpu.memory_space<vmem>> -> memref<8xi32, #tpu.memory_space<vmem>>
    %dma_wait3A_161 = arith.constant 0 : i32
    %dma_wait3A_162 = arith.constant 0 : i32
    %dma_wait3A_163 = tpu.memref_slice %arg4[%dma_wait3A_161, %dma_wait3A_162] : memref<1472x1024xf32, #tpu.memory_space<hbm>> -> memref<1472x1024xf32, #tpu.memory_space<hbm>>
    tpu.wait_indirect_dma semaphore(%arg11 : memref<!tpu.dma_semaphore, #tpu.memory_space<semaphore_mem>>) src(%dma_wait3A_157 : memref<8x1024xf32, #tpu.memory_space<vmem>>) dst(%dma_wait3A_163 : memref<1472x1024xf32, #tpu.memory_space<hbm>>)
    %dma_wait3A_164 = arith.constant 2 : i32
    %dma_wait3A_165 = arith.constant 16 : i32
    %dma_wait3A_166 = arith.constant 0 : i32
    %dma_wait3A_167 = tpu.memref_slice %arg6[%dma_wait3A_165, %dma_wait3A_166] : memref<32x1024xf32, #tpu.memory_space<vmem>> -> memref<8x1024xf32, #tpu.memory_space<vmem>>
    %dma_wait3A_168 = arith.constant 0 : i32
    %dma_wait3A_169 = tpu.memref_slice %arg5[%dma_wait3A_164, %dma_wait3A_168] : memref<4x8xi32, #tpu.memory_space<vmem>> -> memref<1x8xi32, #tpu.memory_space<vmem>>
    %dma_wait3A_170 = tpu.memref_squeeze %dma_wait3A_169 : memref<1x8xi32, #tpu.memory_space<vmem>> -> memref<8xi32, #tpu.memory_space<vmem>>
    %dma_wait3A_171 = arith.constant 0 : i32
    %dma_wait3A_172 = arith.constant 0 : i32
    %dma_wait3A_173 = tpu.memref_slice %arg4[%dma_wait3A_171, %dma_wait3A_172] : memref<1472x1024xf32, #tpu.memory_space<hbm>> -> memref<1472x1024xf32, #tpu.memory_space<hbm>>
    tpu.wait_indirect_dma semaphore(%arg11 : memref<!tpu.dma_semaphore, #tpu.memory_space<semaphore_mem>>) src(%dma_wait3A_167 : memref<8x1024xf32, #tpu.memory_space<vmem>>) dst(%dma_wait3A_173 : memref<1472x1024xf32, #tpu.memory_space<hbm>>)
    %dma_wait3A_174 = arith.constant 3 : i32
    %dma_wait3A_175 = arith.constant 24 : i32
    %dma_wait3A_176 = arith.constant 0 : i32
    %dma_wait3A_177 = tpu.memref_slice %arg6[%dma_wait3A_175, %dma_wait3A_176] : memref<32x1024xf32, #tpu.memory_space<vmem>> -> memref<8x1024xf32, #tpu.memory_space<vmem>>
    %dma_wait3A_178 = arith.constant 0 : i32
    %dma_wait3A_179 = tpu.memref_slice %arg5[%dma_wait3A_174, %dma_wait3A_178] : memref<4x8xi32, #tpu.memory_space<vmem>> -> memref<1x8xi32, #tpu.memory_space<vmem>>
    %dma_wait3A_180 = tpu.memref_squeeze %dma_wait3A_179 : memref<1x8xi32, #tpu.memory_space<vmem>> -> memref<8xi32, #tpu.memory_space<vmem>>
    %dma_wait3A_181 = arith.constant 0 : i32
    %dma_wait3A_182 = arith.constant 0 : i32
    %dma_wait3A_183 = tpu.memref_slice %arg4[%dma_wait3A_181, %dma_wait3A_182] : memref<1472x1024xf32, #tpu.memory_space<hbm>> -> memref<1472x1024xf32, #tpu.memory_space<hbm>>
    tpu.wait_indirect_dma semaphore(%arg11 : memref<!tpu.dma_semaphore, #tpu.memory_space<semaphore_mem>>) src(%dma_wait3A_177 : memref<8x1024xf32, #tpu.memory_space<vmem>>) dst(%dma_wait3A_183 : memref<1472x1024xf32, #tpu.memory_space<hbm>>)
    return
  }
}

module attributes {stable_mosaic.version = 14 : i64} {
  func.func @_expert_body(%arg0: i32, %arg1: memref<24xi32, #tpu.memory_space<smem>>, %arg2: memref<64x1024xf32, #tpu.memory_space<vmem>>, %arg3: memref<1x1024x1024xf32, #tpu.memory_space<vmem>>, %arg4: memref<8x1024xf32, #tpu.memory_space<vmem>>, %arg5: memref<1x1024x16xf32, #tpu.memory_space<vmem>>, %arg6: memref<8x16xf32, #tpu.memory_space<vmem>>, %arg7: memref<8x1024xf32, #tpu.memory_space<vmem>>, %arg8: memref<8xf32, #tpu.memory_space<smem>>, %arg9: memref<64x128xf32, #tpu.memory_space<vmem>>) attributes {dimension_semantics = [#tpu.dimension_semantics<arbitrary>], iteration_bounds = array<i64: 23>, scalar_prefetch = 1 : i64, scratch_operands = 0 : i64, tpu.core_type = #tpu.core_type<tc>, window_params = [{transform_indices = @transform_0, window_bounds = array<i64: 64, 1024>}, {transform_indices = @transform_1, window_bounds = array<i64: 1, 1024, 1024>}, {pipeline_mode = #tpu.pipeline_mode<synchronous>, transform_indices = @transform_2, window_bounds = array<i64: 8, 1024>}, {transform_indices = @transform_3, window_bounds = array<i64: 1, 1024, 16>}, {pipeline_mode = #tpu.pipeline_mode<synchronous>, transform_indices = @transform_4, window_bounds = array<i64: 8, 16>}, {pipeline_mode = #tpu.pipeline_mode<synchronous>, transform_indices = @transform_5, window_bounds = array<i64: 8, 1024>}, {transform_indices = @transform_6, window_bounds = array<i64: 8>}, {transform_indices = @transform_7, window_bounds = array<i64: 64, 128>}]} {
    %get3A = arith.constant 23 : index
    %get3A_0 = memref.load %arg1[%get3A] : memref<24xi32, #tpu.memory_space<smem>>
    %lt3A = arith.cmpi slt, %arg0, %get3A_0 : i32
    %convert_element_type3A = arith.extui %lt3A : i1 to i32
    %cond3A = arith.constant 0 : i32
    %cond3A_1 = arith.cmpi ne, %convert_element_type3A, %cond3A : i32
    scf.if %cond3A_1 {
      %get3A_2 = arith.index_cast %arg0 : i32 to index
      %get3A_3 = memref.load %arg1[%get3A_2] : memref<24xi32, #tpu.memory_space<smem>>
      %iota3A = tpu.iota {dimensions = array<i32: 0>} : vector<8x1xi32>
      %eq3A = vector.broadcast %get3A_3 : i32 to vector<8x1xi32>
      %eq3A_4 = arith.cmpi eq, %iota3A, %eq3A : vector<8x1xi32>
      %get3A_5 = arith.constant 0 : index
      %get3A_6 = arith.constant 0 : index
      %get3A_7 = vector.load %arg4[%get3A_5, %get3A_6] : memref<8x1024xf32, #tpu.memory_space<vmem>>, vector<8x1024xf32>
      %jit3A = arith.constant 0.000000e+00 : f32
      %broadcast_in_dim3A = vector.shape_cast %eq3A_4 : vector<8x1xi1> to vector<8x1xi1>
      %broadcast_in_dim3A_8 = vector.broadcast %broadcast_in_dim3A : vector<8x1xi1> to vector<8x1024xi1>
      %broadcast_in_dim3A_9 = vector.broadcast %jit3A : f32 to vector<8x1024xf32>
      %select_n3A = arith.select %broadcast_in_dim3A_8, %get3A_7, %broadcast_in_dim3A_9 : vector<8x1024xi1>, vector<8x1024xf32>
      %reduce_sum3A = arith.constant dense<0.000000e+00> : vector<1024xf32>
      %reduce_sum3A_10 = vector.multi_reduction <add>, %select_n3A, %reduce_sum3A [0] : vector<8x1024xf32> to vector<1024xf32>
      %broadcast_in_dim3A_11 = vector.shape_cast %reduce_sum3A_10 : vector<1024xf32> to vector<1x1024xf32>
      %get3A_12 = arith.constant 0 : index
      %get3A_13 = arith.constant 0 : index
      %get3A_14 = vector.load %arg6[%get3A_12, %get3A_13] : memref<8x16xf32, #tpu.memory_space<vmem>>, vector<8x16xf32>
      %jit3A_15 = arith.constant 0.000000e+00 : f32
      %broadcast_in_dim3A_16 = vector.shape_cast %eq3A_4 : vector<8x1xi1> to vector<8x1xi1>
      %broadcast_in_dim3A_17 = vector.broadcast %broadcast_in_dim3A_16 : vector<8x1xi1> to vector<8x16xi1>
      %broadcast_in_dim3A_18 = vector.broadcast %jit3A_15 : f32 to vector<8x16xf32>
      %select_n3A_19 = arith.select %broadcast_in_dim3A_17, %get3A_14, %broadcast_in_dim3A_18 : vector<8x16xi1>, vector<8x16xf32>
      %reduce_sum3A_20 = arith.constant dense<0.000000e+00> : vector<16xf32>
      %reduce_sum3A_21 = vector.multi_reduction <add>, %select_n3A_19, %reduce_sum3A_20 [0] : vector<8x16xf32> to vector<16xf32>
      %broadcast_in_dim3A_22 = vector.shape_cast %reduce_sum3A_21 : vector<16xf32> to vector<1x16xf32>
      %get3A_23 = arith.constant 0 : index
      %get3A_24 = arith.constant 0 : index
      %get3A_25 = vector.load %arg7[%get3A_23, %get3A_24] : memref<8x1024xf32, #tpu.memory_space<vmem>>, vector<8x1024xf32>
      %jit3A_26 = arith.constant 0.000000e+00 : f32
      %broadcast_in_dim3A_27 = vector.shape_cast %eq3A_4 : vector<8x1xi1> to vector<8x1xi1>
      %broadcast_in_dim3A_28 = vector.broadcast %broadcast_in_dim3A_27 : vector<8x1xi1> to vector<8x1024xi1>
      %broadcast_in_dim3A_29 = vector.broadcast %jit3A_26 : f32 to vector<8x1024xf32>
      %select_n3A_30 = arith.select %broadcast_in_dim3A_28, %get3A_25, %broadcast_in_dim3A_29 : vector<8x1024xi1>, vector<8x1024xf32>
      %reduce_sum3A_31 = arith.constant dense<0.000000e+00> : vector<1024xf32>
      %reduce_sum3A_32 = vector.multi_reduction <add>, %select_n3A_30, %reduce_sum3A_31 [0] : vector<8x1024xf32> to vector<1024xf32>
      %broadcast_in_dim3A_33 = vector.shape_cast %reduce_sum3A_32 : vector<1024xf32> to vector<1x1024xf32>
      %get3A_34 = arith.constant 0 : index
      %get3A_35 = arith.constant 0 : index
      %get3A_36 = vector.load %arg2[%get3A_34, %get3A_35] : memref<64x1024xf32, #tpu.memory_space<vmem>>, vector<64x1024xf32>
      %get3A_37 = arith.constant 0 : index
      %get3A_38 = arith.constant 0 : index
      %get3A_39 = arith.constant 0 : index
      %get3A_40 = vector.load %arg3[%get3A_37, %get3A_38, %get3A_39] : memref<1x1024x1024xf32, #tpu.memory_space<vmem>>, vector<1x1024x1024xf32>
      %get3A_41 = vector.shape_cast %get3A_40 : vector<1x1024x1024xf32> to vector<1024x1024xf32>
      %dot_general3A = arith.constant dense<0.000000e+00> : vector<64x1024xf32>
      %dot_general3A_42 = tpu.matmul %get3A_36, %get3A_41, %dot_general3A {dimension_numbers = #tpu.dot_dimension_numbers<[1], [0], [0], [1], [0, 0, 1, 1], [], []>, transpose_lhs_hint = false} : vector<64x1024xf32>, vector<1024x1024xf32>, vector<64x1024xf32> -> vector<64x1024xf32>
      %add3A = vector.broadcast %broadcast_in_dim3A_11 : vector<1x1024xf32> to vector<64x1024xf32>
      %add3A_43 = arith.addf %dot_general3A_42, %add3A : vector<64x1024xf32>
      %max3A = arith.constant 0.000000e+00 : f32
      %max3A_44 = vector.broadcast %max3A : f32 to vector<64x1024xf32>
      %max3A_45 = arith.maximumf %add3A_43, %max3A_44 : vector<64x1024xf32>
      %get3A_46 = arith.constant 0 : index
      %get3A_47 = arith.constant 0 : index
      %get3A_48 = arith.constant 0 : index
      %get3A_49 = vector.load %arg5[%get3A_46, %get3A_47, %get3A_48] : memref<1x1024x16xf32, #tpu.memory_space<vmem>>, vector<1x1024x16xf32>
      %get3A_50 = vector.shape_cast %get3A_49 : vector<1x1024x16xf32> to vector<1024x16xf32>
      %dot_general3A_51 = arith.constant dense<0.000000e+00> : vector<64x16xf32>
      %dot_general3A_52 = tpu.matmul %max3A_45, %get3A_50, %dot_general3A_51 {dimension_numbers = #tpu.dot_dimension_numbers<[1], [0], [0], [1], [0, 0, 1, 1], [], []>, transpose_lhs_hint = false} : vector<64x1024xf32>, vector<1024x16xf32>, vector<64x16xf32> -> vector<64x16xf32>
      %add3A_53 = vector.broadcast %broadcast_in_dim3A_22 : vector<1x16xf32> to vector<64x16xf32>
      %add3A_54 = arith.addf %dot_general3A_52, %add3A_53 : vector<64x16xf32>
      %mul3A = vector.broadcast %broadcast_in_dim3A_33 : vector<1x1024xf32> to vector<64x1024xf32>
      %mul3A_55 = arith.mulf %max3A_45, %mul3A : vector<64x1024xf32>
      %reduce_sum3A_56 = arith.constant dense<0.000000e+00> : vector<64xf32>
      %reduce_sum3A_57 = vector.multi_reduction <add>, %mul3A_55, %reduce_sum3A_56 [1] : vector<64x1024xf32> to vector<64xf32>
      %broadcast_in_dim3A_58 = vector.shape_cast %reduce_sum3A_57 : vector<64xf32> to vector<64x1xf32>
      %get3A_59 = arith.index_cast %get3A_3 : i32 to index
      %get3A_60 = memref.load %arg8[%get3A_59] : memref<8xf32, #tpu.memory_space<smem>>
      %add3A_61 = vector.broadcast %get3A_60 : f32 to vector<64x1xf32>
      %add3A_62 = arith.addf %broadcast_in_dim3A_58, %add3A_61 : vector<64x1xf32>
      %reduce_max3A = arith.constant dense<0xFF800000> : vector<64xf32>
      %reduce_max3A_63 = vector.multi_reduction <maximumf>, %add3A_54, %reduce_max3A [1] : vector<64x16xf32> to vector<64xf32>
      %broadcast_in_dim3A_64 = vector.shape_cast %reduce_max3A_63 : vector<64xf32> to vector<64x1xf32>
      %iota3A_65 = tpu.iota {dimensions = array<i32: 1>} : vector<64x16xi32>
      %eq3A_66 = vector.broadcast %broadcast_in_dim3A_64 : vector<64x1xf32> to vector<64x16xf32>
      %eq3A_67 = arith.cmpf oeq, %add3A_54, %eq3A_66 : vector<64x16xf32>
      %jit3A_68 = arith.constant 16 : i32
      %broadcast_in_dim3A_69 = vector.broadcast %jit3A_68 : i32 to vector<64x16xi32>
      %select_n3A_70 = arith.select %eq3A_67, %iota3A_65, %broadcast_in_dim3A_69 : vector<64x16xi1>, vector<64x16xi32>
      %reduce_min3A = arith.constant dense<2147483647> : vector<64xi32>
      %reduce_min3A_71 = vector.multi_reduction <minsi>, %select_n3A_70, %reduce_min3A [1] : vector<64x16xi32> to vector<64xi32>
      %broadcast_in_dim3A_72 = vector.shape_cast %reduce_min3A_71 : vector<64xi32> to vector<64x1xi32>
      %sub3A = vector.broadcast %broadcast_in_dim3A_64 : vector<64x1xf32> to vector<64x16xf32>
      %sub3A_73 = arith.subf %add3A_54, %sub3A : vector<64x16xf32>
      %exp3A = math.exp %sub3A_73 : vector<64x16xf32>
      %reduce_sum3A_74 = arith.constant dense<0.000000e+00> : vector<64xf32>
      %reduce_sum3A_75 = vector.multi_reduction <add>, %exp3A, %reduce_sum3A_74 [1] : vector<64x16xf32> to vector<64xf32>
      %broadcast_in_dim3A_76 = vector.shape_cast %reduce_sum3A_75 : vector<64xf32> to vector<64x1xf32>
      %log3A = math.log %broadcast_in_dim3A_76 : vector<64x1xf32>
      %neg3A = arith.constant 0.000000e+00 : f32
      %neg3A_77 = vector.broadcast %neg3A : f32 to vector<64x1xf32>
      %neg3A_78 = arith.subf %neg3A_77, %log3A : vector<64x1xf32>
      %convert_element_type3A_79 = arith.sitofp %broadcast_in_dim3A_72 : vector<64x1xi32> to vector<64x1xf32>
      %broadcast_in_dim3A_80 = arith.constant 0.000000e+00 : f32
      %broadcast_in_dim3A_81 = vector.broadcast %broadcast_in_dim3A_80 : f32 to vector<64x125xf32>
      %concatenate3A = tpu.concatenate %convert_element_type3A_79, %add3A_62, %neg3A_78, %broadcast_in_dim3A_81 in 1 : vector<64x1xf32>, vector<64x1xf32>, vector<64x1xf32>, vector<64x125xf32> -> vector<64x128xf32>
      %swap3A = arith.constant 0 : index
      %swap3A_82 = arith.constant 0 : index
      %swap3A_83 = vector.load %arg9[%swap3A, %swap3A_82] : memref<64x128xf32, #tpu.memory_space<vmem>>, vector<64x128xf32>
      tpu.vector_store %arg9[%swap3A, %swap3A_82], %concatenate3A {strides = array<i32>} : memref<64x128xf32, #tpu.memory_space<vmem>>, vector<64x128xf32>,
    } else {
    }
    return
  }
  func.func @transform_0(%arg0: i32, %arg1: memref<24xi32, #tpu.memory_space<smem>>) -> (i32, i32) {
    %get3A = arith.constant 23 : index
    %get3A_0 = memref.load %arg1[%get3A] : memref<24xi32, #tpu.memory_space<smem>>
    %lt3A = arith.cmpi slt, %arg0, %get3A_0 : i32
    %jit3A = arith.constant 0 : i32
    %select_n3A = arith.select %lt3A, %arg0, %jit3A : i32
    %c0_i32 = arith.constant 0 : i32
    %c0_i32_1 = arith.constant 0 : i32
    return %select_n3A, %c0_i32 : i32, i32
  }
  func.func @transform_1(%arg0: i32, %arg1: memref<24xi32, #tpu.memory_space<smem>>) -> (i32, i32, i32) {
    %get3A = arith.index_cast %arg0 : i32 to index
    %get3A_0 = memref.load %arg1[%get3A] : memref<24xi32, #tpu.memory_space<smem>>
    %c0_i32 = arith.constant 0 : i32
    %c0_i32_1 = arith.constant 0 : i32
    %c0_i32_2 = arith.constant 0 : i32
    return %get3A_0, %c0_i32, %c0_i32_1 : i32, i32, i32
  }
  func.func @transform_2(%arg0: i32, %arg1: memref<24xi32, #tpu.memory_space<smem>>) -> (i32, i32) {
    %c0_i32 = arith.constant 0 : i32
    %c0_i32_0 = arith.constant 0 : i32
    %c0_i32_1 = arith.constant 0 : i32
    return %c0_i32, %c0_i32_0 : i32, i32
  }
  func.func @transform_3(%arg0: i32, %arg1: memref<24xi32, #tpu.memory_space<smem>>) -> (i32, i32, i32) {
    %get3A = arith.index_cast %arg0 : i32 to index
    %get3A_0 = memref.load %arg1[%get3A] : memref<24xi32, #tpu.memory_space<smem>>
    %c0_i32 = arith.constant 0 : i32
    %c0_i32_1 = arith.constant 0 : i32
    %c0_i32_2 = arith.constant 0 : i32
    return %get3A_0, %c0_i32, %c0_i32_1 : i32, i32, i32
  }
  func.func @transform_4(%arg0: i32, %arg1: memref<24xi32, #tpu.memory_space<smem>>) -> (i32, i32) {
    %c0_i32 = arith.constant 0 : i32
    %c0_i32_0 = arith.constant 0 : i32
    %c0_i32_1 = arith.constant 0 : i32
    return %c0_i32, %c0_i32_0 : i32, i32
  }
  func.func @transform_5(%arg0: i32, %arg1: memref<24xi32, #tpu.memory_space<smem>>) -> (i32, i32) {
    %c0_i32 = arith.constant 0 : i32
    %c0_i32_0 = arith.constant 0 : i32
    %c0_i32_1 = arith.constant 0 : i32
    return %c0_i32, %c0_i32_0 : i32, i32
  }
  func.func @transform_6(%arg0: i32, %arg1: memref<24xi32, #tpu.memory_space<smem>>) -> i32 {
    %c0_i32 = arith.constant 0 : i32
    %c0_i32_0 = arith.constant 0 : i32
    return %c0_i32 : i32
  }
  func.func @transform_7(%arg0: i32, %arg1: memref<24xi32, #tpu.memory_space<smem>>) -> (i32, i32) {
    %c0_i32 = arith.constant 0 : i32
    %c0_i32_0 = arith.constant 0 : i32
    return %arg0, %c0_i32 : i32, i32
  }
}

module attributes {stable_mosaic.version = 14 : i64} {
  func.func @_heads_body(%arg0: memref<1024x1024xf32, #tpu.memory_space<vmem>>, %arg1: memref<1024xi32, #tpu.memory_space<vmem>>, %arg2: memref<1024xi32, #tpu.memory_space<vmem>>, %arg3: memref<1024x17xf32, #tpu.memory_space<vmem>>, %arg4: memref<1x17xf32, #tpu.memory_space<vmem>>, %arg5: memref<1024x1xi32, #tpu.memory_space<vmem>>, %arg6: memref<1024x1xf32, #tpu.memory_space<vmem>>, %arg7: memref<1024x1xf32, #tpu.memory_space<vmem>>, %arg8: memref<1024x1xf32, #tpu.memory_space<vmem>>, %arg9: memref<1x1024xi32, #tpu.memory_space<vmem>>, %arg10: memref<1x24xi32, #tpu.memory_space<vmem>>) attributes {dimension_semantics = [], scalar_prefetch = 0 : i64, scratch_operands = 0 : i64, tpu.core_type = #tpu.core_type<tc>} {
    %iota3A = tpu.iota {dimensions = array<i32: 0>} : vector<1024x1024xi32>
    %iota3A_0 = tpu.iota {dimensions = array<i32: 1>} : vector<1024x1024xi32>
    %eq3A = arith.cmpi eq, %iota3A, %iota3A_0 : vector<1024x1024xi32>
    %convert_element_type3A = arith.extui %eq3A : vector<1024x1024xi1> to vector<1024x1024xi32>
    %convert_element_type3A_1 = arith.sitofp %convert_element_type3A : vector<1024x1024xi32> to vector<1024x1024xf32>
    %get3A = arith.constant 0 : index
    %get3A_2 = vector.load %arg2[%get3A] : memref<1024xi32, #tpu.memory_space<vmem>>, vector<1024xi32>
    %reshape3A = vector.shape_cast %get3A_2 : vector<1024xi32> to vector<1x1024xi32>
    %convert_element_type3A_3 = arith.sitofp %reshape3A : vector<1x1024xi32> to vector<1x1024xf32>
    %get3A_4 = arith.constant 0 : index
    %get3A_5 = vector.load %arg1[%get3A_4] : memref<1024xi32, #tpu.memory_space<vmem>>, vector<1024xi32>
    %get3A_6 = arith.constant dense<0> : vector<1024xi32>
    %get3A_7 = arith.cmpi ne, %get3A_5, %get3A_6 : vector<1024xi32>
    %reshape3A_8 = vector.shape_cast %get3A_7 : vector<1024xi1> to vector<1x1024xi1>
    %convert_element_type3A_9 = arith.extui %reshape3A_8 : vector<1x1024xi1> to vector<1x1024xi32>
    %convert_element_type3A_10 = arith.sitofp %convert_element_type3A_9 : vector<1x1024xi32> to vector<1x1024xf32>
    %dot_general3A = arith.constant dense<0.000000e+00> : vector<1024x1xf32>
    %dot_general3A_11 = tpu.matmul %convert_element_type3A_1, %convert_element_type3A_3, %dot_general3A {dimension_numbers = #tpu.dot_dimension_numbers<[1], [1], [0], [0], [0, 0, 1, 0], [], []>, transpose_lhs_hint = false} : vector<1024x1024xf32>, vector<1x1024xf32>, vector<1024x1xf32> -> vector<1024x1xf32>
    %convert_element_type3A_12 = arith.fptosi %dot_general3A_11 : vector<1024x1xf32> to vector<1024x1xi32>
    %dot_general3A_13 = arith.constant dense<0.000000e+00> : vector<1024x1xf32>
    %dot_general3A_14 = tpu.matmul %convert_element_type3A_1, %convert_element_type3A_10, %dot_general3A_13 {dimension_numbers = #tpu.dot_dimension_numbers<[1], [1], [0], [0], [0, 0, 1, 0], [], []>, transpose_lhs_hint = false} : vector<1024x1024xf32>, vector<1x1024xf32>, vector<1024x1xf32> -> vector<1024x1xf32>
    %iota3A_15 = tpu.iota {dimensions = array<i32: 1>} : vector<1024x8xi32>
    %get3A_16 = arith.constant 0 : index
    %get3A_17 = arith.constant 0 : index
    %get3A_18 = vector.load %arg0[%get3A_16, %get3A_17] : memref<1024x1024xf32, #tpu.memory_space<vmem>>, vector<1024x1024xf32>
    %get3A_19 = arith.constant 0 : index
    %get3A_20 = arith.constant 0 : index
    %get3A_21 = vector.load %arg3[%get3A_19, %get3A_20] : memref<1024x17xf32, #tpu.memory_space<vmem>>, vector<1024x17xf32>
    %dot_general3A_22 = arith.constant dense<0.000000e+00> : vector<1024x17xf32>
    %dot_general3A_23 = tpu.matmul %get3A_18, %get3A_21, %dot_general3A_22 {dimension_numbers = #tpu.dot_dimension_numbers<[1], [0], [0], [1], [0, 0, 1, 1], [], []>, transpose_lhs_hint = false} : vector<1024x1024xf32>, vector<1024x17xf32>, vector<1024x17xf32> -> vector<1024x17xf32>
    %get3A_24 = arith.constant 0 : index
    %get3A_25 = arith.constant 0 : index
    %get3A_26 = vector.load %arg4[%get3A_24, %get3A_25] : memref<1x17xf32, #tpu.memory_space<vmem>>, vector<1x17xf32>
    %add3A = vector.broadcast %get3A_26 : vector<1x17xf32> to vector<1024x17xf32>
    %add3A_27 = arith.addf %dot_general3A_23, %add3A : vector<1024x17xf32>
    %slice3A = vector.extract_strided_slice %add3A_27 {offsets = [0, 0], sizes = [1024, 8], strides = [1, 1]} : vector<1024x17xf32> to vector<1024x8xf32>
    %slice3A_28 = vector.extract_strided_slice %add3A_27 {offsets = [0, 8], sizes = [1024, 8], strides = [1, 1]} : vector<1024x17xf32> to vector<1024x8xf32>
    %slice3A_29 = vector.extract_strided_slice %add3A_27 {offsets = [0, 16], sizes = [1024, 1], strides = [1, 1]} : vector<1024x17xf32> to vector<1024x1xf32>
    %reduce_max3A = arith.constant dense<0xFF800000> : vector<1024xf32>
    %reduce_max3A_30 = vector.multi_reduction <maximumf>, %slice3A, %reduce_max3A [1] : vector<1024x8xf32> to vector<1024xf32>
    %broadcast_in_dim3A = vector.shape_cast %reduce_max3A_30 : vector<1024xf32> to vector<1024x1xf32>
    %eq3A_31 = vector.broadcast %broadcast_in_dim3A : vector<1024x1xf32> to vector<1024x8xf32>
    %eq3A_32 = arith.cmpf oeq, %slice3A, %eq3A_31 : vector<1024x8xf32>
    %jit3A = arith.constant 8 : i32
    %broadcast_in_dim3A_33 = vector.broadcast %jit3A : i32 to vector<1024x8xi32>
    %select_n3A = arith.select %eq3A_32, %iota3A_15, %broadcast_in_dim3A_33 : vector<1024x8xi1>, vector<1024x8xi32>
    %reduce_min3A = arith.constant dense<2147483647> : vector<1024xi32>
    %reduce_min3A_34 = vector.multi_reduction <minsi>, %select_n3A, %reduce_min3A [1] : vector<1024x8xi32> to vector<1024xi32>
    %broadcast_in_dim3A_35 = vector.shape_cast %reduce_min3A_34 : vector<1024xi32> to vector<1024x1xi32>
    %sub3A = vector.broadcast %broadcast_in_dim3A : vector<1024x1xf32> to vector<1024x8xf32>
    %sub3A_36 = arith.subf %slice3A, %sub3A : vector<1024x8xf32>
    %exp3A = math.exp %sub3A_36 : vector<1024x8xf32>
    %reduce_sum3A = arith.constant dense<0.000000e+00> : vector<1024xf32>
    %reduce_sum3A_37 = vector.multi_reduction <add>, %exp3A, %reduce_sum3A [1] : vector<1024x8xf32> to vector<1024xf32>
    %broadcast_in_dim3A_38 = vector.shape_cast %reduce_sum3A_37 : vector<1024xf32> to vector<1024x1xf32>
    %log3A = math.log %broadcast_in_dim3A_38 : vector<1024x1xf32>
    %neg3A = arith.constant 0.000000e+00 : f32
    %neg3A_39 = vector.broadcast %neg3A : f32 to vector<1024x1xf32>
    %neg3A_40 = arith.subf %neg3A_39, %log3A : vector<1024x1xf32>
    %logistic3A = arith.negf %slice3A_28 : vector<1024x8xf32>
    %logistic3A_41 = math.exp %logistic3A : vector<1024x8xf32>
    %logistic3A_42 = arith.constant 1.000000e+00 : f32
    %logistic3A_43 = vector.broadcast %logistic3A_42 : f32 to vector<1024x8xf32>
    %logistic3A_44 = arith.addf %logistic3A_43, %logistic3A_41 : vector<1024x8xf32>
    %logistic3A_45 = arith.divf %logistic3A_43, %logistic3A_44 : vector<1024x8xf32>
    %eq3A_46 = vector.broadcast %convert_element_type3A_12 : vector<1024x1xi32> to vector<1024x8xi32>
    %eq3A_47 = arith.cmpi eq, %iota3A_15, %eq3A_46 : vector<1024x8xi32>
    %jit3A_48 = arith.constant 0.000000e+00 : f32
    %broadcast_in_dim3A_49 = vector.broadcast %jit3A_48 : f32 to vector<1024x8xf32>
    %select_n3A_50 = arith.select %eq3A_47, %logistic3A_45, %broadcast_in_dim3A_49 : vector<1024x8xi1>, vector<1024x8xf32>
    %reduce_sum3A_51 = arith.constant dense<0.000000e+00> : vector<1024xf32>
    %reduce_sum3A_52 = vector.multi_reduction <add>, %select_n3A_50, %reduce_sum3A_51 [1] : vector<1024x8xf32> to vector<1024xf32>
    %broadcast_in_dim3A_53 = vector.shape_cast %reduce_sum3A_52 : vector<1024xf32> to vector<1024x1xf32>
    %ne3A = arith.constant 0.000000e+00 : f32
    %ne3A_54 = vector.broadcast %ne3A : f32 to vector<1024x1xf32>
    %ne3A_55 = arith.cmpf one, %dot_general3A_14, %ne3A_54 : vector<1024x1xf32>
    %gt3A = arith.constant 5.000000e-01 : f32
    %gt3A_56 = vector.broadcast %gt3A : f32 to vector<1024x1xf32>
    %gt3A_57 = arith.cmpf ogt, %broadcast_in_dim3A_53, %gt3A_56 : vector<1024x1xf32>
    %or3A = arith.ori %ne3A_55, %gt3A_57 : vector<1024x1xi1>
    %select_n3A_58 = arith.select %or3A, %broadcast_in_dim3A_35, %convert_element_type3A_12 : vector<1024x1xi1>, vector<1024x1xi32>
    %swap3A = arith.constant 0 : index
    %swap3A_59 = arith.constant 0 : index
    %swap3A_60 = vector.load %arg5[%swap3A, %swap3A_59] : memref<1024x1xi32, #tpu.memory_space<vmem>>, vector<1024x1xi32>
    tpu.vector_store %arg5[%swap3A, %swap3A_59], %broadcast_in_dim3A_35 {strides = array<i32>} : memref<1024x1xi32, #tpu.memory_space<vmem>>, vector<1024x1xi32>,
    %swap3A_61 = arith.constant 0 : index
    %swap3A_62 = arith.constant 0 : index
    %swap3A_63 = vector.load %arg6[%swap3A_61, %swap3A_62] : memref<1024x1xf32, #tpu.memory_space<vmem>>, vector<1024x1xf32>
    tpu.vector_store %arg6[%swap3A_61, %swap3A_62], %slice3A_29 {strides = array<i32>} : memref<1024x1xf32, #tpu.memory_space<vmem>>, vector<1024x1xf32>,
    %swap3A_64 = arith.constant 0 : index
    %swap3A_65 = arith.constant 0 : index
    %swap3A_66 = vector.load %arg7[%swap3A_64, %swap3A_65] : memref<1024x1xf32, #tpu.memory_space<vmem>>, vector<1024x1xf32>
    tpu.vector_store %arg7[%swap3A_64, %swap3A_65], %neg3A_40 {strides = array<i32>} : memref<1024x1xf32, #tpu.memory_space<vmem>>, vector<1024x1xf32>,
    %swap3A_67 = arith.constant 0 : index
    %swap3A_68 = arith.constant 0 : index
    %swap3A_69 = vector.load %arg8[%swap3A_67, %swap3A_68] : memref<1024x1xf32, #tpu.memory_space<vmem>>, vector<1024x1xf32>
    tpu.vector_store %arg8[%swap3A_67, %swap3A_68], %broadcast_in_dim3A_53 {strides = array<i32>} : memref<1024x1xf32, #tpu.memory_space<vmem>>, vector<1024x1xf32>,
    %convert_element_type3A_70 = arith.sitofp %select_n3A_58 : vector<1024x1xi32> to vector<1024x1xf32>
    %dot_general3A_71 = arith.constant dense<0.000000e+00> : vector<1x1024xf32>
    %dot_general3A_72 = tpu.matmul %convert_element_type3A_70, %convert_element_type3A_1, %dot_general3A_71 {dimension_numbers = #tpu.dot_dimension_numbers<[0], [0], [1], [1], [0, 1, 1, 1], [], []>, transpose_lhs_hint = false} : vector<1024x1xf32>, vector<1024x1024xf32>, vector<1x1024xf32> -> vector<1x1024xf32>
    %iota3A_73 = tpu.iota {dimensions = array<i32: 0>} : vector<8x1024xi32>
    %convert_element_type3A_74 = arith.sitofp %iota3A_73 : vector<8x1024xi32> to vector<8x1024xf32>
    %eq3A_75 = vector.broadcast %dot_general3A_72 : vector<1x1024xf32> to vector<8x1024xf32>
    %eq3A_76 = arith.cmpf oeq, %eq3A_75, %convert_element_type3A_74 : vector<8x1024xf32>
    %convert_element_type3A_77 = arith.extui %eq3A_76 : vector<8x1024xi1> to vector<8x1024xi32>
    %convert_element_type3A_78 = arith.sitofp %convert_element_type3A_77 : vector<8x1024xi32> to vector<8x1024xf32>
    %reduce_sum3A_79 = arith.constant dense<0.000000e+00> : vector<8xf32>
    %reduce_sum3A_80 = vector.multi_reduction <add>, %convert_element_type3A_78, %reduce_sum3A_79 [1] : vector<8x1024xf32> to vector<8xf32>
    %broadcast_in_dim3A_81 = vector.shape_cast %reduce_sum3A_80 : vector<8xf32> to vector<8x1xf32>
    %iota3A_82 = tpu.iota {dimensions = array<i32: 0>} : vector<1024x1024xi32>
    %iota3A_83 = tpu.iota {dimensions = array<i32: 1>} : vector<1024x1024xi32>
    %lt3A = arith.cmpi slt, %iota3A_82, %iota3A_83 : vector<1024x1024xi32>
    %convert_element_type3A_84 = arith.extui %lt3A : vector<1024x1024xi1> to vector<1024x1024xi32>
    %convert_element_type3A_85 = arith.sitofp %convert_element_type3A_84 : vector<1024x1024xi32> to vector<1024x1024xf32>
    %dot_general3A_86 = arith.constant dense<0.000000e+00> : vector<8x1024xf32>
    %dot_general3A_87 = tpu.matmul %convert_element_type3A_78, %convert_element_type3A_85, %dot_general3A_86 {dimension_numbers = #tpu.dot_dimension_numbers<[1], [0], [0], [1], [0, 0, 1, 1], [], []>, transpose_lhs_hint = false} : vector<8x1024xf32>, vector<1024x1024xf32>, vector<8x1024xf32> -> vector<8x1024xf32>
    %add3A_88 = arith.constant 6.300000e+01 : f32
    %add3A_89 = vector.broadcast %add3A_88 : f32 to vector<8x1xf32>
    %add3A_90 = arith.addf %broadcast_in_dim3A_81, %add3A_89 : vector<8x1xf32>
    %mul3A = arith.constant 1.562500e-02 : f32
    %mul3A_91 = vector.broadcast %mul3A : f32 to vector<8x1xf32>
    %mul3A_92 = arith.mulf %add3A_90, %mul3A_91 : vector<8x1xf32>
    %floor3A = math.floor %mul3A_92 : vector<8x1xf32>
    %iota3A_93 = tpu.iota {dimensions = array<i32: 1>} : vector<8x8xi32>
    %iota3A_94 = tpu.iota {dimensions = array<i32: 0>} : vector<8x8xi32>
    %lt3A_95 = arith.cmpi slt, %iota3A_93, %iota3A_94 : vector<8x8xi32>
    %convert_element_type3A_96 = arith.extui %lt3A_95 : vector<8x8xi1> to vector<8x8xi32>
    %convert_element_type3A_97 = arith.sitofp %convert_element_type3A_96 : vector<8x8xi32> to vector<8x8xf32>
    %dot_general3A_98 = arith.constant dense<0.000000e+00> : vector<8x1xf32>
    %dot_general3A_99 = tpu.matmul %convert_element_type3A_97, %floor3A, %dot_general3A_98 {dimension_numbers = #tpu.dot_dimension_numbers<[1], [0], [0], [1], [0, 0, 1, 1], [], []>, transpose_lhs_hint = false} : vector<8x8xf32>, vector<8x1xf32>, vector<8x1xf32> -> vector<8x1xf32>
    %mul3A_100 = arith.constant 6.400000e+01 : f32
    %mul3A_101 = vector.broadcast %mul3A_100 : f32 to vector<8x1xf32>
    %mul3A_102 = arith.mulf %mul3A_101, %dot_general3A_99 : vector<8x1xf32>
    %add3A_103 = vector.broadcast %mul3A_102 : vector<8x1xf32> to vector<8x1024xf32>
    %add3A_104 = arith.addf %add3A_103, %dot_general3A_87 : vector<8x1024xf32>
    %mul3A_105 = arith.mulf %convert_element_type3A_78, %add3A_104 : vector<8x1024xf32>
    %reduce_sum3A_106 = arith.constant dense<0.000000e+00> : vector<1024xf32>
    %reduce_sum3A_107 = vector.multi_reduction <add>, %mul3A_105, %reduce_sum3A_106 [0] : vector<8x1024xf32> to vector<1024xf32>
    %broadcast_in_dim3A_108 = vector.shape_cast %reduce_sum3A_107 : vector<1024xf32> to vector<1x1024xf32>
    %convert_element_type3A_109 = arith.fptosi %broadcast_in_dim3A_108 : vector<1x1024xf32> to vector<1x1024xi32>
    %swap3A_110 = arith.constant 0 : index
    %swap3A_111 = arith.constant 0 : index
    %swap3A_112 = vector.load %arg9[%swap3A_110, %swap3A_111] : memref<1x1024xi32, #tpu.memory_space<vmem>>, vector<1x1024xi32>
    tpu.vector_store %arg9[%swap3A_110, %swap3A_111], %convert_element_type3A_109 {strides = array<i32>} : memref<1x1024xi32, #tpu.memory_space<vmem>>, vector<1x1024xi32>,
    %iota3A_113 = tpu.iota {dimensions = array<i32: 0>} : vector<8x1xi32>
    %convert_element_type3A_114 = arith.sitofp %iota3A_113 : vector<8x1xi32> to vector<8x1xf32>
    %reduce_sum3A_115 = arith.constant dense<0.000000e+00> : vector<1xf32>
    %reduce_sum3A_116 = vector.multi_reduction <add>, %floor3A, %reduce_sum3A_115 [0] : vector<8x1xf32> to vector<1xf32>
    %broadcast_in_dim3A_117 = vector.shape_cast %reduce_sum3A_116 : vector<1xf32> to vector<1x1xf32>
    %gt3A_118 = arith.constant 0.000000e+00 : f32
    %gt3A_119 = vector.broadcast %gt3A_118 : f32 to vector<8x1xf32>
    %gt3A_120 = arith.cmpf ogt, %floor3A, %gt3A_119 : vector<8x1xf32>
    %jit3A_121 = arith.constant -1.000000e+00 : f32
    %broadcast_in_dim3A_122 = vector.broadcast %jit3A_121 : f32 to vector<8x1xf32>
    %select_n3A_123 = arith.select %gt3A_120, %convert_element_type3A_114, %broadcast_in_dim3A_122 : vector<8x1xi1>, vector<8x1xf32>
    %reduce_max3A_124 = arith.constant dense<0xFF800000> : vector<1xf32>
    %reduce_max3A_125 = vector.multi_reduction <maximumf>, %select_n3A_123, %reduce_max3A_124 [0] : vector<8x1xf32> to vector<1xf32>
    %broadcast_in_dim3A_126 = vector.shape_cast %reduce_max3A_125 : vector<1xf32> to vector<1x1xf32>
    %iota3A_127 = tpu.iota {dimensions = array<i32: 1>} : vector<8x24xi32>
    %convert_element_type3A_128 = arith.sitofp %iota3A_127 : vector<8x24xi32> to vector<8x24xf32>
    %ge3A = vector.broadcast %dot_general3A_99 : vector<8x1xf32> to vector<8x24xf32>
    %ge3A_129 = arith.cmpf oge, %convert_element_type3A_128, %ge3A : vector<8x24xf32>
    %add3A_130 = arith.addf %dot_general3A_99, %floor3A : vector<8x1xf32>
    %lt3A_131 = vector.broadcast %add3A_130 : vector<8x1xf32> to vector<8x24xf32>
    %lt3A_132 = arith.cmpf olt, %convert_element_type3A_128, %lt3A_131 : vector<8x24xf32>
    %and3A = arith.andi %ge3A_129, %lt3A_132 : vector<8x24xi1>
    %jit3A_133 = arith.constant 0.000000e+00 : f32
    %broadcast_in_dim3A_134 = vector.shape_cast %convert_element_type3A_114 : vector<8x1xf32> to vector<8x1xf32>
    %broadcast_in_dim3A_135 = vector.broadcast %broadcast_in_dim3A_134 : vector<8x1xf32> to vector<8x24xf32>
    %broadcast_in_dim3A_136 = vector.broadcast %jit3A_133 : f32 to vector<8x24xf32>
    %select_n3A_137 = arith.select %and3A, %broadcast_in_dim3A_135, %broadcast_in_dim3A_136 : vector<8x24xi1>, vector<8x24xf32>
    %reduce_sum3A_138 = arith.constant dense<0.000000e+00> : vector<24xf32>
    %reduce_sum3A_139 = vector.multi_reduction <add>, %select_n3A_137, %reduce_sum3A_138 [0] : vector<8x24xf32> to vector<24xf32>
    %broadcast_in_dim3A_140 = vector.shape_cast %reduce_sum3A_139 : vector<24xf32> to vector<1x24xf32>
    %iota3A_141 = tpu.iota {dimensions = array<i32: 1>} : vector<1x24xi32>
    %convert_element_type3A_142 = arith.sitofp %iota3A_141 : vector<1x24xi32> to vector<1x24xf32>
    %ge3A_143 = vector.broadcast %broadcast_in_dim3A_117 : vector<1x1xf32> to vector<1x24xf32>
    %ge3A_144 = arith.cmpf oge, %convert_element_type3A_142, %ge3A_143 : vector<1x24xf32>
    %broadcast_in_dim3A_145 = vector.shape_cast %broadcast_in_dim3A_126 : vector<1x1xf32> to vector<1x1xf32>
    %broadcast_in_dim3A_146 = vector.broadcast %broadcast_in_dim3A_145 : vector<1x1xf32> to vector<1x24xf32>
    %select_n3A_147 = arith.select %ge3A_144, %broadcast_in_dim3A_146, %broadcast_in_dim3A_140 : vector<1x24xi1>, vector<1x24xf32>
    %iota3A_148 = tpu.iota {dimensions = array<i32: 1>} : vector<1x24xi32>
    %eq3A_149 = arith.constant 23 : i32
    %eq3A_150 = vector.broadcast %eq3A_149 : i32 to vector<1x24xi32>
    %eq3A_151 = arith.cmpi eq, %iota3A_148, %eq3A_150 : vector<1x24xi32>
    %broadcast_in_dim3A_152 = vector.shape_cast %broadcast_in_dim3A_117 : vector<1x1xf32> to vector<1x1xf32>
    %broadcast_in_dim3A_153 = vector.broadcast %broadcast_in_dim3A_152 : vector<1x1xf32> to vector<1x24xf32>
    %select_n3A_154 = arith.select %eq3A_151, %broadcast_in_dim3A_153, %select_n3A_147 : vector<1x24xi1>, vector<1x24xf32>
    %convert_element_type3A_155 = arith.fptosi %select_n3A_154 : vector<1x24xf32> to vector<1x24xi32>
    %swap3A_156 = arith.constant 0 : index
    %swap3A_157 = arith.constant 0 : index
    %swap3A_158 = vector.load %arg10[%swap3A_156, %swap3A_157] : memref<1x24xi32, #tpu.memory_space<vmem>>, vector<1x24xi32>
    tpu.vector_store %arg10[%swap3A_156, %swap3A_157], %convert_element_type3A_155 {strides = array<i32>} : memref<1x24xi32, #tpu.memory_space<vmem>>, vector<1x24xi32>,
    return
  }
}

</mosaic_0001>

<sc_bundles>
// kernel: kernel.6.cloned.1.call-start
scs
__scs_entry_jumppad:
0x0: {  	(pc) =	sbr.rel $0x88, $3  }
0x1: {  	(tag) =	ssettag $0x0;
	lr =	simm.s32 $0x1  }
0x2: {  	[smem:$0x3F92] =	sst lr;
	_ =	strace $0xD0000000  }
0x3: {  	_ = 	snop  }
0x4: {  	_ = 	snop  }
0x5: {  	_ = 	snop  }
0x6: {  	_ = 	snop  }
0x7: {  	_ = 	snop  }
__scs_overlays_trampoline_lowered:
0x8: {  	[smem:$0x3FA1] =	sst s0  }
0x9: {  	[smem:$0x3FA2] =	sst s1  }
0xa: {  	[smem:$0x3FA3] =	sst s2  }
0xb: {  	[smem:$0x3FA4] =	sst s3  }
0xc: {  	[smem:$0x3FA5] =	sst s4  }
0xd: {  	[smem:$0x3FA6] =	sst s5  }
0xe: {  	[smem:$0x3FA7] =	sst s6  }
0xf: {  	[smem:$0x3FA8] =	sst s7  }
0x10: {  	[smem:$0x3FA9] =	sst s8  }
0x11: {  	[smem:$0x3FAA] =	sst s9;
	s0 =	simm.s32 @!p0 $0x0  }
0x12: {  	s1 =	sld [smem:$0x3F90];
	s0 =	simm.s32 @p0 $0x1  }
0x13: {  	[smem:$0x3FAB] =	sst s0;
	s0 =	simm.s32 @!p1 $0x0  }
0x14: {  	s2 =	sld [smem:$0x3F8F];
	s0 =	simm.s32 @p1 $0x1  }
0x15: {  	[smem:$0x3FAC] =	sst s0;
	s0 =	simm.s32 @!p2 $0x0  }
0x16: {  	s3 =	sld [smem:$0x3FDB];
	s0 =	simm.s32 @p2 $0x1  }
0x17: {  	s4 =	simm.s32 $0x1BF5;
	[smem:$0x3FAE] =	sst s0  }
0x18: {  	s0 =	sld [smem:$0x3F91];
	_ =	swait.ge [sflag:s4], $0x0  }
0x19: {  	s7 =	sld [smem:$0x3F92]  }
0x1a: {  	s8 =	sadd.s32 $0xFFFFE003, lr  }
0x1b: {  	s9 =	sadd.s32 $0xFFFFFEF7, lr;
	s5 =	simm.s32 $0xFFFFFFFF;
	p2 =	slt.u32 s8, $0xFFFFF086  }
0x1c: {  	p1 =	slt.u32 s9, $0xF7A;
	s5 =	simm.s32 @!p2 $0x0  }
0x1d: {  	s5 =	simm.s32 @p1 $0x1;
	p0 =	seq.s32 s7, s2  }
0x1e: {  	s7 =	smul.u32 @!p0 $0xF7A, s2;
	p2 =	seq.s32 @!p0 s5, $0x0  }
0x1f: {  	s9 =	smul.u32 $0xF7A, s1;
	s8 =	simm.s32 @!p0 $0x1BF5;
	p2 =	por !p2, p0  }
0x20: {  	[sflag:s8] =	ssyncset.s32 @!p0 $0xFFFFF086;
	s6 =	sadd.s32 @!p0 s3, s7;
	s7 =	simm.s32 @!p0 $0x108  }
0x21: {  	s3 =	sadd.s32 s3, s9;
	s6 =	sadd.s32 @!p0 $0x88, s6;
	s7 =	simm.s32 @p2 $0x1082  }
0x22: {  	[simem:s7], [sflag:s8] =	dma.local @!p0 [hbm:s6], $0xF7A  }
0x23: {  	s9 =	sor.u32 $0xD0000000, s2;
	s6 =	simm.s32 $0x108;
	_ =	swait.ge @!p0 [sflag:s8], $0x0  }
0x24: {  	s3 =	sadd.s32 $0x88, s3;
	s6 =	simm.s32 @!p1 $0x1082;
	[sflag:s4] =	ssyncset.s32 $0xFFFFF086  }
0x25: {  	[simem:s6], [sflag:s4] =	dma.local [hbm:s3], $0xF7A  }
0x26: {  	[smem:$0x3F92] =	sst s1;
	(tag) =	ssettag s2;
	_ =	strace s9  }
0x27: {  	s1 =	sld [smem:$0x3FA2]  }
0x28: {  	s2 =	sld [smem:$0x3FA3]  }
0x29: {  	s4 =	sld [smem:$0x3FA5]  }
0x2a: {  	p0 =	seq.s32 s5, $0x0;
	s5 =	sld [smem:$0x3FA6]  }
0x2b: {  	s6 =	sld [smem:$0x3FA7]  }
0x2c: {  	s7 =	sld [smem:$0x3FA8]  }
0x2d: {  	s3 =	simm.s32 $0x108;
	s8 =	sld [smem:$0x3FA9]  }
0x2e: {  	s3 =	simm.s32 @!p0 $0x1082;
	s9 =	sld [smem:$0x3FAA]  }
0x2f: {  	lr =	sadd.s32 s0, s3;
	s0 =	sld [smem:$0x3FA1]  }
0x30: {  	s3 =	sld [smem:$0x3FA4]  }
0x31: {  	[smem:$0x3FAD] =	sst s10  }
0x32: {  	s10 =	sld [smem:$0x3FAB];
	_ =	sdelay $0x3  }
0x33: {  	p0 =	seq.s32 s10, $0x1;
	s10 =	sld [smem:$0x3FAD];
	_ =	sdelay $0x3  }
0x34: {  	[smem:$0x3FAD] =	sst s10  }
0x35: {  	s10 =	sld [smem:$0x3FAC];
	_ =	sdelay $0x3  }
0x36: {  	p1 =	seq.s32 s10, $0x1;
	s10 =	sld [smem:$0x3FAD];
	_ =	sdelay $0x3  }
0x37: {  	[smem:$0x3FAD] =	sst s10  }
0x38: {  	s10 =	sld [smem:$0x3FAE]  }
0x39: {  	_ = 	snop;
	(pc) =	sbr.ind lr, $3  }
0x3a: {  	_ = 	snop  }
0x3b: {  	_ = 	snop  }
0x3c: {  	p2 =	seq.s32 s10, $0x1;
	s10 =	sld [smem:$0x3FAD]  }
0x3d: {  	_ =	shalt  }
0x3e: {  	_ =	shalt  }
0x3f: {  	_ =	shalt  }
0x40: {  	_ =	shalt  }
0x41: {  	_ =	shalt  }
0x42: {  	_ =	shalt  }
0x43: {  	_ =	shalt  }
0x44: {  	_ =	shalt  }
0x45: {  	_ =	shalt  }
0x46: {  	_ =	shalt  }
0x47: {  	_ =	shalt  }
0x48: {  	_ =	shalt  }
0x49: {  	_ =	shalt  }
0x4a: {  	_ =	shalt  }
0x4b: {  	_ =	shalt  }
0x4c: {  	_ =	shalt  }
0x4d: {  	_ =	shalt  }
0x4e: {  	_ =	shalt  }
0x4f: {  	_ =	shalt  }
0x50: {  	_ =	shalt  }
0x51: {  	_ =	shalt  }
0x52: {  	_ =	shalt  }
0x53: {  	_ =	shalt  }
0x54: {  	_ =	shalt  }
0x55: {  	_ =	shalt  }
0x56: {  	_ =	shalt  }
0x57: {  	_ =	shalt  }
0x58: {  	_ =	shalt  }
0x59: {  	_ =	shalt  }
0x5a: {  	_ =	shalt  }
0x5b: {  	_ =	shalt  }
0x5c: {  	_ =	shalt  }
0x5d: {  	_ =	shalt  }
0x5e: {  	_ =	shalt  }
0x5f: {  	_ =	shalt  }
0x60: {  	_ =	shalt  }
0x61: {  	_ =	shalt  }
0x62: {  	_ =	shalt  }
0x63: {  	_ =	shalt  }
0x64: {  	_ =	shalt  }
0x65: {  	_ =	shalt  }
0x66: {  	_ =	shalt  }
0x67: {  	_ =	shalt  }
0x68: {  	_ =	shalt  }
0x69: {  	_ =	shalt  }
0x6a: {  	_ =	shalt  }
0x6b: {  	_ =	shalt  }
0x6c: {  	_ =	shalt  }
0x6d: {  	_ =	shalt  }
0x6e: {  	_ =	shalt  }
0x6f: {  	_ =	shalt  }
0x70: {  	_ =	shalt  }
0x71: {  	_ =	shalt  }
0x72: {  	_ =	shalt  }
0x73: {  	_ =	shalt  }
0x74: {  	_ =	shalt  }
0x75: {  	_ =	shalt  }
0x76: {  	_ =	shalt  }
0x77: {  	_ =	shalt  }
0x78: {  	_ =	shalt  }
0x79: {  	_ =	shalt  }
0x7a: {  	_ =	shalt  }
0x7b: {  	_ =	shalt  }
0x7c: {  	_ =	shalt  }
0x7d: {  	_ =	shalt  }
0x7e: {  	_ =	shalt  }
0x7f: {  	_ =	shalt  }
0x80: {  	_ =	shalt  }
0x81: {  	_ =	shalt  }
0x82: {  	_ =	shalt  }
0x83: {  	_ =	shalt  }
0x84: {  	_ =	shalt  }
0x85: {  	_ =	shalt  }
0x86: {  	_ =	shalt  }
0x87: {  	_ =	shalt  }
.Lfunc_end0:
.L_simem_size_0:
called_computation_lowered:
.L_overlay_start_0:
0x88: {  	s2 =	sld [smem:$0x3FD9]  }
0x89: {  	s3 =	sld [smem:$0x3FFE];
	_ =	sdelay $0x1  }
0x8a: {  	s1 =	srdreg.scid  }
0x8b: {  	s0 =	sand.u32 $0x1, s1  }
0x8c: {  	s17 =	sshll.u32 s0, $0xA;
	s2 =	sadd.s32 s3, s2  }
0x8d: {  	s2 =	sadd.s32 s2, s17  }
0x8e: {  	[smem:$0x3FB9] =	sst s2  }
0x8f: {  	_ = 	snop  }
0x90: {  	s2 =	sld [smem:$0x3FC9];
	(tm) =	ssettm $0x1  }
0x91: {  	s18 =	sld [smem:$0x3FFB];
	_ =	sdelay $0x3  }
0x92: {  	_ =	strace s18  }
0x93: {  	s3 =	sld [smem:$0x3FFC];
	_ =	sdelay $0x3  }
0x94: {  	_ =	strace s3  }
0x95: {  	s3 =	sld [smem:$0x3FFD];
	_ =	sdelay $0x3  }
0x96: {  	_ =	strace s3  }
0x97: {  	_ =	strace $0x8FFFFFFF  }
0x98: {  	s19 =	sld [smem:$0x3FDB];
	_ =	sdelay $0x1  }
0x99: {  	s4 =	simm.s32 $_scs_section_size  }
0x9a: {  	s5 =	simm.s32 $_size__tile_overlayer_lowered;
	s6 =	simm.s32 $_tile_overlayer_lowered  }
0x9b: {  	s22 =	simm.s32 $0x1BFF;
	s21 =	sshll.u32 s6, $0x1;
	s3 =	sadd.s32 s4, s19  }
0x9c: {  	s7 =	simm.s32 $0x0;
	s20 =	sshll.u32 s5, $0x1;
	s5 =	sadd.s32 s21, s3  }
0x9d: {  	[timem:s7], [sflag:s22] =	dma.local [hbm:s5], s20  }
0x9e: {  	_ =	swait.ge [sflag:s22], s20  }
0x9f: {  	s4 =	ssub.s32 $0x0, s20;
	[sflag:s22] =	ssyncset.done $0x0  }
0xa0: {  	[sflag:s22] =	ssyncadd.s32 s4;
	_ =	sdelay $0x1  }
0xa1: {  	s23 =	simm.s32 $0x1B8B  }
0xa2: {  	_ =	swait.ge [sflag:s23], $0x1  }
0xa3: {  	[sflag:s23] =	ssyncset.done $0x0  }
0xa4: {  	s25 =	simm.s32 $0x1B8E;
	s24 =	sld [smem:$0x3FFE];
	[sflag:s23] =	ssyncadd.s32 $0xFFFFFFFF  }
0xa5: {  	s26 =	simm.s32 $execute0_lowered;
	[smem:$0x3FD2] =	sst s25  }
0xa6: {  	s5 =	sshll.u32 s26, $0x1;
	_ =	strace $0x80000046;
	[dreg:$0x1] =	wrdreg $0xFFFFFFFF  }
0xa7: {  	s28 =	simm.s32 $_size_execute0_lowered;
	s3 =	sadd.s32 s3, s5;
	[dreg:$0x0] =	wrdreg $0x0  }
0xa8: {  	s5 =	sshll.u32 s28, $0x1;
	[dreg:$0x2] =	wrdreg s3  }
0xa9: {  	[dreg:$0x3] =	wrdreg s5  }
0xaa: {  	[dreg:$0x4] =	wrdreg $0xC0  }
0xab: {  	_ =	task [dreg:s7], $0x5FFFF  }
0xac: {  	[dreg:$0x1] =	wrdreg $0xFFFFFFFF  }
0xad: {  	[dreg:$0x0] =	wrdreg $0x60  }
0xae: {  	[dreg:$0x2] =	wrdreg s24  }
0xaf: {  	[dreg:$0x3] =	wrdreg s2  }
0xb0: {  	[dreg:$0x4] =	wrdreg $0x9  }
0xb1: {  	_ =	task.clear_ibuf [dreg:s7], $0x5FFFF;
	_ =	strace $0x90000046  }
0xb2: {  	s29 =	simm.s32 $0x9;
	_ =	strace $0x80000048  }
0xb3: {  	_ =	swait.ge [sflag:s29], $0x1  }
0xb4: {  	[sflag:s29] =	ssyncadd.s32 $0xFFFFFFFF  }
0xb5: {  	_ =	strace $0x90000048  }
0xb6: {  	_ =	sfence  }
0xb7: {  	s30 =	sld [smem:$0x0];
	_ =	sdelay $0x2  }
0xb8: {  	s31 =	sshll.u32 s1, $0xD;
	s1 =	sshrl.u32 s1, $0x2  }
0xb9: {  	s3 =	sand.u32 $0x4000, s31;
	s1 =	sadd.s32 s1, s30  }
0xba: {  	s0 =	sor.u32 s3, s0;
	s1 =	sshll.u32 s1, $0x11  }
0xbb: {  	s0 =	sor.u32 s1, s0  }
0xbc: {  	s0 =	sadd.s32 $0x8F2B, s0  }
0xbd: {  	[sflag:s0] =	ssyncadd.remote.s32 $0x1  }
0xbe: {  	_ =	sfence.sel $0xFFFF  }
0xbf: {  	[dreg:$0x0] =	wrdreg $0xFFFFFFFF;
	(pc) =	sbr.abs _section_cstart, $3  }
0xc0: {  	[dreg:$0x1] =	wrdreg $0xFFFFFFFF  }
0xc1: {  	_ =	task.clear_ibuf [dreg:s7], $0x2FFFF;
	_ =	strace $0x9FFFFFFF  }
0xc2: {  	(tm) =	ssettm $0x7FFFFFFF  }
0xc3: {  	_ =	shalt  }
tec
execute0_lowered:
.L_overlay_start_1:
0x0: {  	(tag) =	ssettag $0x1  }
0x1: {  	s0 =	rddreg [dreg:$0x0]  }
0x2: {  	s3 =	rddreg [dreg:$0x1]  }
0x3: {  	s2 =	srdreg.scid;
	s1 =	stileid.u32;
	s26 =	simm.s32 $0x80  }
0x4: {  	s10 =	simm.s32 $0x2200;
	s12 =	simm.s32 $0x4200;
	s14 =	simm.s32 $0x6200  }
0x5: {  	s28 =	simm.s32 $0x4;
	s29 =	simm.s32 $0x6A00;
	s30 =	simm.s32 $0x7200  }
0x6: {  	s31 =	simm.s32 $0x7A00;
	s4 =	sand.u32 $0x1, s2;
	s2 =	simm.s32 $0x0  }
0x7: {  	s5 =	sshll.u32 s1, $0x6;
	s15 =	sadd.s32 $0xC00, s0;
	s6 =	sshll.u32 s4, $0x5  }
0x8: {  	[smem:$0x7FF] =	sst s2;
	s4 =	ssub.s32 $0x2, s4;
	s5 =	sor.u32 s6, s5  }
0x9: {  	_ =	strace $0x80000047;
	s25 =	sshrl.u32 s4, $0x1;
	[dreg:$0xb] =	wrdreg s26  }
0xa: {  	s26 =	simm.s32 $0x5A00;
	s7 =	sshrl.u32 s5, $0x3;
	s8 =	sshll.u32 s5, $0x7  }
0xb: {  	s9 =	sor.u32 $0x8, s5;
	s21 =	sor.u32 $0x10, s5;
	s5 =	sor.u32 $0x18, s5  }
0xc: {  	s7 =	sadd.s32 s15, s7;
	s16 =	sadd.s32 s3, s8;
	s17 =	sshrl.u32 s9, $0x3  }
0xd: {  	s19 =	sshll.u32 s9, $0x7;
	s22 =	sshrl.u32 s21, $0x3;
	s8 =	sshll.u32 s21, $0x7  }
0xe: {  	s24 =	sshrl.u32 s5, $0x3;
	s5 =	sshll.u32 s5, $0x7;
	[dreg:$0x3] =	wrdreg s7  }
0xf: {  	s9 =	simm.s32 $0x200;
	s21 =	simm.s32 $0x3200;
	[dreg:$0x4] =	wrdreg s16  }
0x10: {  	s18 =	sadd.s32 s15, s17;
	s20 =	sadd.s32 s3, s19;
	s7 =	sadd.s32 s15, s22  }
0x11: {  	s23 =	sadd.s32 s3, s8;
	s6 =	sadd.s32 s15, s24;
	[dreg:$0x5] =	wrdreg s18  }
0x12: {  	s5 =	sadd.s32 s3, s5;
	s3 =	sadd.s32 $0xE00, s0;
	[dreg:$0x6] =	wrdreg s20  }
0x13: {  	s8 =	simm.s32 $0x6;
	s15 =	simm.s32 $0x1;
	[dreg:$0x7] =	wrdreg s7  }
0x14: {  	s16 =	simm.s32 $0xA00;
	s17 =	simm.s32 $0x1200;
	[dreg:$0x8] =	wrdreg s23  }
0x15: {  	s19 =	simm.s32 $0x2;
	s22 =	simm.s32 $0x3A00;
	[dreg:$0x9] =	wrdreg s6  }
0x16: {  	s24 =	simm.s32 $0x4A00;
	s7 =	ssub.s32 s4, s25;
	[dreg:$0xa] =	wrdreg s5  }
0x17: {  	v0 =	vlaneseq.u32;
	s4 =	sadd.s32 $0xF00, s0;
	s5 =	sadd.s32 $0x1000, s0;
	s6 =	sadd.s32 $0x1100, s0  }
0x18: {  	v1 =	vshrl.u32 v0, $0x3;
	s18 =	simm.s32 $0x1A00;
	s20 =	simm.s32 $0x2A00;
	s23 =	simm.s32 $0x3  }
0x19: {  	vm0 =	vmmov $0xffff;
	v0 =	vand.u32 $0x7, v0;
	v1 =	vmul.u32 $0x8, v1;
	s25 =	simm.s32 $0x5200;
	s0 =	simm.s32 $0x5;
	s7 =	smax.u32 s7, $0x1  }
.LBB2_1:
0x1a: {  	s1 =	rddreg [dreg:$0x3]  }
0x1b: {  	[tilespmem:s2], [sflag:$0x6] =	stream.linear.gather [hbm4b:s1+s2], $0x8, $0x38;
	[tilespmem:$0x8200] =	vst v63  }
0x1c: {  	_ =	swait.ge [sflag:s8], $0x8  }
0x1d: {  	s1 =	rddreg [dreg:$0x4];
	[sflag:s8] =	ssyncset.done $0x0  }
0x1e: {  	s11 =	rddreg [dreg:$0x5];
	[sflag:s8] =	ssyncadd.s32 $0xFFFFFFF8  }
0x1f: {  	[tilespmem:s9], [sflag:$0x1] =	stream.linear.gather [hbm4b:s1+s2], $0x2000, $0x38;
	[tilespmem:$0x8200] =	vst v63  }
0x20: {  	s13 =	rddreg [dreg:$0xb]  }
0x21: {  	[tilespmem:s13], [sflag:$0x6] =	stream.linear.gather [hbm4b:s11+s2], $0x8, $0x38;
	[tilespmem:$0x8200] =	vst v63  }
0x22: {  	_ =	swait.ge [sflag:s8], $0x8  }
0x23: {  	[sflag:s8] =	ssyncset.done $0x0  }
0x24: {  	s13 =	rddreg [dreg:$0x6];
	[sflag:s8] =	ssyncadd.s32 $0xFFFFFFF8  }
0x25: {  	[tilespmem:s10], [sflag:$0x2] =	stream.linear.gather [hbm4b:s13+s2], $0x2000, $0x38;
	[tilespmem:$0x8200] =	vst v63  }
0x26: {  	s11 =	rddreg [dreg:$0x7];
	s13 =	simm.s32 $0x100  }
0x27: {  	[tilespmem:s13], [sflag:$0x6] =	stream.linear.gather [hbm4b:s11+s2], $0x8, $0x38;
	[tilespmem:$0x8200] =	vst v63  }
0x28: {  	_ =	swait.ge [sflag:s8], $0x8  }
0x29: {  	[sflag:s8] =	ssyncset.done $0x0  }
0x2a: {  	s13 =	rddreg [dreg:$0x8];
	[sflag:s8] =	ssyncadd.s32 $0xFFFFFFF8  }
0x2b: {  	[tilespmem:s12], [sflag:$0x3] =	stream.linear.gather [hbm4b:s13+s2], $0x2000, $0x38;
	[tilespmem:$0x8200] =	vst v63  }
0x2c: {  	s11 =	rddreg [dreg:$0x9];
	s13 =	simm.s32 $0x180  }
0x2d: {  	[tilespmem:s13], [sflag:$0x6] =	stream.linear.gather [hbm4b:s11+s2], $0x8, $0x38;
	[tilespmem:$0x8200] =	vst v63  }
0x2e: {  	_ =	swait.ge [sflag:s8], $0x8  }
0x2f: {  	[sflag:s8] =	ssyncset.done $0x0  }
0x30: {  	s13 =	rddreg [dreg:$0xa];
	[sflag:s8] =	ssyncadd.s32 $0xFFFFFFF8  }
0x31: {  	[tilespmem:s14], [sflag:$0x4] =	stream.linear.gather [hbm4b:s13+s2], $0x2000, $0x38;
	[tilespmem:$0x8200] =	vst v63  }
0x32: {  	_ =	swait.ge [sflag:s15], $0x2000  }
0x33: {  	[sflag:s15] =	ssyncset.done $0x0  }
0x34: {  	[sflag:s15] =	ssyncadd.s32 $0xFFFFE000  }
0x35: {  	v2 =	vld.msk [tilespmem:$0x0], $0xff;
	_ =	sdelay $0x4  }
0x36: {  	v3 =	vshll.u32 v2, $0x3  }
0x37: {  	v2 =	vand.u32 $0x7, v2;
	v3 =	vand.u32 $0xFFFFFFC0, v3  }
0x38: {  	v2 =	vor.u32 v2, v3  }
0x39: {  	v2 =	vperm.xlane v2, v0;
	_ =	sdelay $0x1  }
0x3a: {  	v2 =	vadd.s32 v1, v2;
	_ =	sdelay $0x4  }
0x3b: {  	[hbm4b:s3+s2] =	stream.indirect_vreg.scatter [tilespmem:s9], [sflag:$0x5], $0x80, v2, vm0, $0xb8;
	[tilespmem:$0x8200] =	vst v63  }
0x3c: {  	_ = 	snop  }
0x3d: {  	[hbm4b:s4+s2] =	stream.indirect_vreg.scatter [tilespmem:s16], [sflag:$0x5], $0x80, v2, vm0, $0xb8;
	[tilespmem:$0x8200] =	vst v63  }
0x3e: {  	_ = 	snop  }
0x3f: {  	[hbm4b:s5+s2] =	stream.indirect_vreg.scatter [tilespmem:s17], [sflag:$0x5], $0x80, v2, vm0, $0xb8;
	[tilespmem:$0x8200] =	vst v63  }
0x40: {  	_ = 	snop  }
0x41: {  	[hbm4b:s6+s2] =	stream.indirect_vreg.scatter [tilespmem:s18], [sflag:$0x5], $0x80, v2, vm0, $0xb8;
	[tilespmem:$0x8200] =	vst v63  }
0x42: {  	_ =	swait.ge [sflag:s19], $0x2000  }
0x43: {  	[sflag:s19] =	ssyncset.done $0x0  }
0x44: {  	[sflag:s19] =	ssyncadd.s32 $0xFFFFE000  }
0x45: {  	v2 =	vld.msk [tilespmem:$0x80], $0xff;
	_ =	sdelay $0x4  }
0x46: {  	v3 =	vshll.u32 v2, $0x3  }
0x47: {  	v2 =	vand.u32 $0x7, v2;
	v3 =	vand.u32 $0xFFFFFFC0, v3  }
0x48: {  	v2 =	vor.u32 v2, v3  }
0x49: {  	v2 =	vperm.xlane v2, v0;
	_ =	sdelay $0x1  }
0x4a: {  	v2 =	vadd.s32 v1, v2;
	_ =	sdelay $0x4  }
0x4b: {  	[hbm4b:s3+s2] =	stream.indirect_vreg.scatter [tilespmem:s10], [sflag:$0x5], $0x80, v2, vm0, $0xb8;
	[tilespmem:$0x8200] =	vst v63  }
0x4c: {  	_ = 	snop  }
0x4d: {  	[hbm4b:s4+s2] =	stream.indirect_vreg.scatter [tilespmem:s20], [sflag:$0x5], $0x80, v2, vm0, $0xb8;
	[tilespmem:$0x8200] =	vst v63  }
0x4e: {  	_ = 	snop  }
0x4f: {  	[hbm4b:s5+s2] =	stream.indirect_vreg.scatter [tilespmem:s21], [sflag:$0x5], $0x80, v2, vm0, $0xb8;
	[tilespmem:$0x8200] =	vst v63  }
0x50: {  	_ = 	snop  }
0x51: {  	[hbm4b:s6+s2] =	stream.indirect_vreg.scatter [tilespmem:s22], [sflag:$0x5], $0x80, v2, vm0, $0xb8;
	[tilespmem:$0x8200] =	vst v63  }
0x52: {  	_ =	swait.ge [sflag:s23], $0x2000  }
0x53: {  	[sflag:s23] =	ssyncset.done $0x0  }
0x54: {  	[sflag:s23] =	ssyncadd.s32 $0xFFFFE000  }
0x55: {  	v2 =	vld.msk [tilespmem:$0x100], $0xff;
	_ =	sdelay $0x4  }
0x56: {  	v3 =	vshll.u32 v2, $0x3  }
0x57: {  	v2 =	vand.u32 $0x7, v2;
	v3 =	vand.u32 $0xFFFFFFC0, v3  }
0x58: {  	v2 =	vor.u32 v2, v3  }
0x59: {  	v2 =	vperm.xlane v2, v0;
	_ =	sdelay $0x1  }
0x5a: {  	v2 =	vadd.s32 v1, v2;
	_ =	sdelay $0x4  }
0x5b: {  	[hbm4b:s3+s2] =	stream.indirect_vreg.scatter [tilespmem:s12], [sflag:$0x5], $0x80, v2, vm0, $0xb8;
	[tilespmem:$0x8200] =	vst v63  }
0x5c: {  	_ = 	snop  }
0x5d: {  	[hbm4b:s4+s2] =	stream.indirect_vreg.scatter [tilespmem:s24], [sflag:$0x5], $0x80, v2, vm0, $0xb8;
	[tilespmem:$0x8200] =	vst v63  }
0x5e: {  	_ = 	snop  }
0x5f: {  	[hbm4b:s5+s2] =	stream.indirect_vreg.scatter [tilespmem:s25], [sflag:$0x5], $0x80, v2, vm0, $0xb8;
	[tilespmem:$0x8200] =	vst v63  }
0x60: {  	_ = 	snop  }
0x61: {  	[hbm4b:s6+s2] =	stream.indirect_vreg.scatter [tilespmem:s26], [sflag:$0x5], $0x80, v2, vm0, $0xb8;
	[tilespmem:$0x8200] =	vst v63  }
0x62: {  	_ =	swait.ge [sflag:s28], $0x2000  }
0x63: {  	[sflag:s28] =	ssyncset.done $0x0  }
0x64: {  	[sflag:s28] =	ssyncadd.s32 $0xFFFFE000  }
0x65: {  	v2 =	vld.msk [tilespmem:$0x180], $0xff;
	_ =	sdelay $0x4  }
0x66: {  	v3 =	vshll.u32 v2, $0x3  }
0x67: {  	v2 =	vand.u32 $0x7, v2;
	v3 =	vand.u32 $0xFFFFFFC0, v3  }
0x68: {  	v2 =	vor.u32 v2, v3  }
0x69: {  	v2 =	vperm.xlane v2, v0;
	_ =	sdelay $0x1  }
0x6a: {  	v2 =	vadd.s32 v1, v2;
	_ =	sdelay $0x4  }
0x6b: {  	[hbm4b:s3+s2] =	stream.indirect_vreg.scatter [tilespmem:s14], [sflag:$0x5], $0x80, v2, vm0, $0xb8;
	[tilespmem:$0x8200] =	vst v63  }
0x6c: {  	_ = 	snop  }
0x6d: {  	[hbm4b:s4+s2] =	stream.indirect_vreg.scatter [tilespmem:s29], [sflag:$0x5], $0x80, v2, vm0, $0xb8;
	[tilespmem:$0x8200] =	vst v63  }
0x6e: {  	_ = 	snop  }
0x6f: {  	[hbm4b:s5+s2] =	stream.indirect_vreg.scatter [tilespmem:s30], [sflag:$0x5], $0x80, v2, vm0, $0xb8;
	[tilespmem:$0x8200] =	vst v63  }
0x70: {  	_ = 	snop  }
0x71: {  	[hbm4b:s6+s2] =	stream.indirect_vreg.scatter [tilespmem:s31], [sflag:$0x5], $0x80, v2, vm0, $0xb8;
	[tilespmem:$0x8200] =	vst v63  }
0x72: {  	_ =	swait.ge [sflag:s0], $0x2000  }
0x73: {  	[sflag:s0] =	ssyncset.done $0x0  }
0x74: {  	[sflag:s0] =	ssyncadd.s32 $0xFFFFE000  }
0x75: {  	_ =	swait.ge [sflag:s0], $0x2000  }
0x76: {  	[sflag:s0] =	ssyncset.done $0x0  }
0x77: {  	[sflag:s0] =	ssyncadd.s32 $0xFFFFE000  }
0x78: {  	p0 =	sne.s32 s7, $0x1;
	_ =	swait.ge [sflag:s0], $0x2000  }
.Ltmp0:
0x79: {  	[sflag:s0] =	ssyncset.done $0x0;
	(pc) =	sbr.rel @p0 .LBB2_1-.Ltmp0, $4  }
0x7a: {  	[sflag:s0] =	ssyncadd.s32 $0xFFFFE000  }
0x7b: {  	_ =	swait.ge [sflag:s0], $0x2000  }
0x7c: {  	[sflag:s0] =	ssyncset.done $0x0  }
0x7d: {  	s7 =	sadd.s32 $0xFFFFFFFF, s7;
	[sflag:s0] =	ssyncadd.s32 $0xFFFFE000  }
0x7e: {  	_ =	sfence.sel $0x180000  }
0x7f: {  	[bflag:$0x0] =	sbarrier.arrive $0xFFFF  }
0x80: {  	_ =	strace $0x90000047  }
0x81: {  	s0 =	stileid.u32;
	[bflag:$0x2] =	sbarrier.arrive $0xFFFF  }
0x82: {  	p0 =	sne.s32 s0, $0x0;
	s0 =	rddreg [dreg:$0x2]  }
0x83: {  	s0 =	sadd.s32 @!p0 $0x100000, s0  }
0x84: {  	[sflag:s0] =	ssyncadd.tile.s32 @!p0 $0x1;
	_ =	shalt  }
.Lfunc_end2:
_tile_overlayer_lowered:
.L_overlay_start_2:
0x85: {  	(tag) =	ssettag $0x2  }
0x86: {  	s0 =	rddreg [dreg:$0x0];
	s2 =	stileid.u32  }
0x87: {  	s1 =	rddreg [dreg:$0x1];
	p0 =	sne.s32 s2, $0x0  }
0x88: {  	s3 =	rddreg [dreg:$0x2];
	[bflag:$0x3] =	sbarrier.arrive $0xFFFF;
	s2 =	simm.s32 @!p0 $0x1C06  }
0x89: {  	[timem:s3], [sflag:s2] =	dma.local @!p0 [hbm:s0], s1  }
0x8a: {  	s0 =	simm.s32 @!p0 $0x6  }
0x8b: {  	_ =	swait.ge @!p0 [sflag:s0], s1  }
0x8c: {  	s1 =	ssub.s32 @!p0 $0x0, s1;
	[sflag:s0] =	ssyncset.done @!p0 $0x0  }
0x8d: {  	[sflag:s0] =	ssyncadd.s32 @!p0 s1  }
0x8e: {  	[bflag:$0x3] =	sbarrier.arrive $0xFFFF  }
0x8f: {  	_ =	shalt  }

// kernel: kernel.9.cloned.1.call-start
scs
__scs_entry_jumppad:
0x0: {  	(pc) =	sbr.rel $0x88, $3  }
0x1: {  	(tag) =	ssettag $0x0;
	lr =	simm.s32 $0x1  }
0x2: {  	[smem:$0x3F92] =	sst lr;
	_ =	strace $0xD0000000  }
0x3: {  	_ = 	snop  }
0x4: {  	_ = 	snop  }
0x5: {  	_ = 	snop  }
0x6: {  	_ = 	snop  }
0x7: {  	_ = 	snop  }
__scs_overlays_trampoline_lowered:
0x8: {  	[smem:$0x3FA1] =	sst s0  }
0x9: {  	[smem:$0x3FA2] =	sst s1  }
0xa: {  	[smem:$0x3FA3] =	sst s2  }
0xb: {  	[smem:$0x3FA4] =	sst s3  }
0xc: {  	[smem:$0x3FA5] =	sst s4  }
0xd: {  	[smem:$0x3FA6] =	sst s5  }
0xe: {  	[smem:$0x3FA7] =	sst s6  }
0xf: {  	[smem:$0x3FA8] =	sst s7  }
0x10: {  	[smem:$0x3FA9] =	sst s8  }
0x11: {  	[smem:$0x3FAA] =	sst s9;
	s0 =	simm.s32 @!p0 $0x0  }
0x12: {  	s1 =	sld [smem:$0x3F90];
	s0 =	simm.s32 @p0 $0x1  }
0x13: {  	[smem:$0x3FAB] =	sst s0;
	s0 =	simm.s32 @!p1 $0x0  }
0x14: {  	s2 =	sld [smem:$0x3F8F];
	s0 =	simm.s32 @p1 $0x1  }
0x15: {  	[smem:$0x3FAC] =	sst s0;
	s0 =	simm.s32 @!p2 $0x0  }
0x16: {  	s3 =	sld [smem:$0x3FDB];
	s0 =	simm.s32 @p2 $0x1  }
0x17: {  	s4 =	simm.s32 $0x1BF5;
	[smem:$0x3FAE] =	sst s0  }
0x18: {  	s0 =	sld [smem:$0x3F91];
	_ =	swait.ge [sflag:s4], $0x0  }
0x19: {  	s7 =	sld [smem:$0x3F92]  }
0x1a: {  	s8 =	sadd.s32 $0xFFFFE003, lr  }
0x1b: {  	s9 =	sadd.s32 $0xFFFFFEF7, lr;
	s5 =	simm.s32 $0xFFFFFFFF;
	p2 =	slt.u32 s8, $0xFFFFF086  }
0x1c: {  	p1 =	slt.u32 s9, $0xF7A;
	s5 =	simm.s32 @!p2 $0x0  }
0x1d: {  	s5 =	simm.s32 @p1 $0x1;
	p0 =	seq.s32 s7, s2  }
0x1e: {  	s7 =	smul.u32 @!p0 $0xF7A, s2;
	p2 =	seq.s32 @!p0 s5, $0x0  }
0x1f: {  	s9 =	smul.u32 $0xF7A, s1;
	s8 =	simm.s32 @!p0 $0x1BF5;
	p2 =	por !p2, p0  }
0x20: {  	[sflag:s8] =	ssyncset.s32 @!p0 $0xFFFFF086;
	s6 =	sadd.s32 @!p0 s3, s7;
	s7 =	simm.s32 @!p0 $0x108  }
0x21: {  	s3 =	sadd.s32 s3, s9;
	s6 =	sadd.s32 @!p0 $0x88, s6;
	s7 =	simm.s32 @p2 $0x1082  }
0x22: {  	[simem:s7], [sflag:s8] =	dma.local @!p0 [hbm:s6], $0xF7A  }
0x23: {  	s9 =	sor.u32 $0xD0000000, s2;
	s6 =	simm.s32 $0x108;
	_ =	swait.ge @!p0 [sflag:s8], $0x0  }
0x24: {  	s3 =	sadd.s32 $0x88, s3;
	s6 =	simm.s32 @!p1 $0x1082;
	[sflag:s4] =	ssyncset.s32 $0xFFFFF086  }
0x25: {  	[simem:s6], [sflag:s4] =	dma.local [hbm:s3], $0xF7A  }
0x26: {  	[smem:$0x3F92] =	sst s1;
	(tag) =	ssettag s2;
	_ =	strace s9  }
0x27: {  	s1 =	sld [smem:$0x3FA2]  }
0x28: {  	s2 =	sld [smem:$0x3FA3]  }
0x29: {  	s4 =	sld [smem:$0x3FA5]  }
0x2a: {  	p0 =	seq.s32 s5, $0x0;
	s5 =	sld [smem:$0x3FA6]  }
0x2b: {  	s6 =	sld [smem:$0x3FA7]  }
0x2c: {  	s7 =	sld [smem:$0x3FA8]  }
0x2d: {  	s3 =	simm.s32 $0x108;
	s8 =	sld [smem:$0x3FA9]  }
0x2e: {  	s3 =	simm.s32 @!p0 $0x1082;
	s9 =	sld [smem:$0x3FAA]  }
0x2f: {  	lr =	sadd.s32 s0, s3;
	s0 =	sld [smem:$0x3FA1]  }
0x30: {  	s3 =	sld [smem:$0x3FA4]  }
0x31: {  	[smem:$0x3FAD] =	sst s10  }
0x32: {  	s10 =	sld [smem:$0x3FAB];
	_ =	sdelay $0x3  }
0x33: {  	p0 =	seq.s32 s10, $0x1;
	s10 =	sld [smem:$0x3FAD];
	_ =	sdelay $0x3  }
0x34: {  	[smem:$0x3FAD] =	sst s10  }
0x35: {  	s10 =	sld [smem:$0x3FAC];
	_ =	sdelay $0x3  }
0x36: {  	p1 =	seq.s32 s10, $0x1;
	s10 =	sld [smem:$0x3FAD];
	_ =	sdelay $0x3  }
0x37: {  	[smem:$0x3FAD] =	sst s10  }
0x38: {  	s10 =	sld [smem:$0x3FAE]  }
0x39: {  	_ = 	snop;
	(pc) =	sbr.ind lr, $3  }
0x3a: {  	_ = 	snop  }
0x3b: {  	_ = 	snop  }
0x3c: {  	p2 =	seq.s32 s10, $0x1;
	s10 =	sld [smem:$0x3FAD]  }
0x3d: {  	_ =	shalt  }
0x3e: {  	_ =	shalt  }
0x3f: {  	_ =	shalt  }
0x40: {  	_ =	shalt  }
0x41: {  	_ =	shalt  }
0x42: {  	_ =	shalt  }
0x43: {  	_ =	shalt  }
0x44: {  	_ =	shalt  }
0x45: {  	_ =	shalt  }
0x46: {  	_ =	shalt  }
0x47: {  	_ =	shalt  }
0x48: {  	_ =	shalt  }
0x49: {  	_ =	shalt  }
0x4a: {  	_ =	shalt  }
0x4b: {  	_ =	shalt  }
0x4c: {  	_ =	shalt  }
0x4d: {  	_ =	shalt  }
0x4e: {  	_ =	shalt  }
0x4f: {  	_ =	shalt  }
0x50: {  	_ =	shalt  }
0x51: {  	_ =	shalt  }
0x52: {  	_ =	shalt  }
0x53: {  	_ =	shalt  }
0x54: {  	_ =	shalt  }
0x55: {  	_ =	shalt  }
0x56: {  	_ =	shalt  }
0x57: {  	_ =	shalt  }
0x58: {  	_ =	shalt  }
0x59: {  	_ =	shalt  }
0x5a: {  	_ =	shalt  }
0x5b: {  	_ =	shalt  }
0x5c: {  	_ =	shalt  }
0x5d: {  	_ =	shalt  }
0x5e: {  	_ =	shalt  }
0x5f: {  	_ =	shalt  }
0x60: {  	_ =	shalt  }
0x61: {  	_ =	shalt  }
0x62: {  	_ =	shalt  }
0x63: {  	_ =	shalt  }
0x64: {  	_ =	shalt  }
0x65: {  	_ =	shalt  }
0x66: {  	_ =	shalt  }
0x67: {  	_ =	shalt  }
0x68: {  	_ =	shalt  }
0x69: {  	_ =	shalt  }
0x6a: {  	_ =	shalt  }
0x6b: {  	_ =	shalt  }
0x6c: {  	_ =	shalt  }
0x6d: {  	_ =	shalt  }
0x6e: {  	_ =	shalt  }
0x6f: {  	_ =	shalt  }
0x70: {  	_ =	shalt  }
0x71: {  	_ =	shalt  }
0x72: {  	_ =	shalt  }
0x73: {  	_ =	shalt  }
0x74: {  	_ =	shalt  }
0x75: {  	_ =	shalt  }
0x76: {  	_ =	shalt  }
0x77: {  	_ =	shalt  }
0x78: {  	_ =	shalt  }
0x79: {  	_ =	shalt  }
0x7a: {  	_ =	shalt  }
0x7b: {  	_ =	shalt  }
0x7c: {  	_ =	shalt  }
0x7d: {  	_ =	shalt  }
0x7e: {  	_ =	shalt  }
0x7f: {  	_ =	shalt  }
0x80: {  	_ =	shalt  }
0x81: {  	_ =	shalt  }
0x82: {  	_ =	shalt  }
0x83: {  	_ =	shalt  }
0x84: {  	_ =	shalt  }
0x85: {  	_ =	shalt  }
0x86: {  	_ =	shalt  }
0x87: {  	_ =	shalt  }
.Lfunc_end0:
.L_simem_size_0:
called_computation.1_lowered:
.L_overlay_start_0:
0x88: {  	s2 =	sld [smem:$0x3FD9]  }
0x89: {  	s3 =	sld [smem:$0x3FFE];
	_ =	sdelay $0x1  }
0x8a: {  	s1 =	srdreg.scid  }
0x8b: {  	s0 =	sand.u32 $0x1, s1  }
0x8c: {  	s14 =	sshll.u32 s0, $0xA;
	s2 =	sadd.s32 s3, s2  }
0x8d: {  	s2 =	sadd.s32 s2, s14  }
0x8e: {  	[smem:$0x3FB9] =	sst s2  }
0x8f: {  	_ = 	snop  }
0x90: {  	s2 =	sld [smem:$0x3FD0];
	_ =	sdelay $0x2  }
0x91: {  	s15 =	simm.s32 $0xA;
	s4 =	simm.s32 $0x10  }
0x92: {  	[smem:s4], [sflag:s15] =	dma.local [hbm:s2], $0x1  }
0x93: {  	_ =	swait.eq [sflag:s15], $0x1  }
0x94: {  	s16 =	sld [smem:$0x10];
	[sflag:s15] =	ssyncset.done $0x0  }
0x95: {  	s17 =	sld [smem:$0x11];
	[sflag:s15] =	ssyncadd.s32 $0xFFFFFFFF  }
0x96: {  	s18 =	sld [smem:$0x12];
	(tm) =	ssettm $0x1  }
0x97: {  	s5 =	sld [smem:$0x3FFB];
	_ =	sdelay $0x3  }
0x98: {  	_ =	strace s5  }
0x99: {  	s5 =	sld [smem:$0x3FFC];
	_ =	sdelay $0x3  }
0x9a: {  	_ =	strace s5  }
0x9b: {  	s5 =	sld [smem:$0x3FFD];
	_ =	sdelay $0x3  }
0x9c: {  	_ =	strace s5  }
0x9d: {  	_ =	strace $0x8FFFFFFF  }
0x9e: {  	s19 =	sld [smem:$0x3FDB];
	_ =	sdelay $0x1  }
0x9f: {  	s6 =	simm.s32 $_scs_section_size  }
0xa0: {  	s7 =	simm.s32 $_size__tile_overlayer_lowered;
	s8 =	simm.s32 $_tile_overlayer_lowered  }
0xa1: {  	s22 =	simm.s32 $0x1BFF;
	s21 =	sshll.u32 s8, $0x1;
	s5 =	sadd.s32 s6, s19  }
0xa2: {  	s9 =	simm.s32 $0x0;
	s20 =	sshll.u32 s7, $0x1;
	s7 =	sadd.s32 s21, s5  }
0xa3: {  	[timem:s9], [sflag:s22] =	dma.local [hbm:s7], s20  }
0xa4: {  	_ =	swait.ge [sflag:s22], s20  }
0xa5: {  	s6 =	ssub.s32 $0x0, s20;
	[sflag:s22] =	ssyncset.done $0x0  }
0xa6: {  	[sflag:s22] =	ssyncadd.s32 s6;
	_ =	sdelay $0x1  }
0xa7: {  	s23 =	simm.s32 $0x1B8B  }
0xa8: {  	_ =	swait.ge [sflag:s23], $0x1  }
0xa9: {  	[sflag:s23] =	ssyncset.done $0x0  }
0xaa: {  	s25 =	simm.s32 $0x1B8E;
	s24 =	sld [smem:$0x3FFE];
	[sflag:s23] =	ssyncadd.s32 $0xFFFFFFFF  }
0xab: {  	s26 =	simm.s32 $execute0_lowered;
	[smem:$0x3FD2] =	sst s25  }
0xac: {  	s7 =	sshll.u32 s26, $0x1;
	_ =	strace $0x80000049;
	[dreg:$0x1] =	wrdreg $0xFFFFFFFF  }
0xad: {  	s28 =	simm.s32 $_size_execute0_lowered;
	s5 =	sadd.s32 s5, s7;
	[dreg:$0x0] =	wrdreg $0x0  }
0xae: {  	s7 =	sshll.u32 s28, $0x1;
	[dreg:$0x2] =	wrdreg s5  }
0xaf: {  	[dreg:$0x3] =	wrdreg s7  }
0xb0: {  	[dreg:$0x4] =	wrdreg $0xC0  }
0xb1: {  	_ =	task [dreg:s9], $0x5FFFF  }
0xb2: {  	[dreg:$0x1] =	wrdreg $0xFFFFFFFF  }
0xb3: {  	[dreg:$0x0] =	wrdreg $0x60  }
0xb4: {  	[dreg:$0x2] =	wrdreg s24  }
0xb5: {  	[dreg:$0x3] =	wrdreg s16  }
0xb6: {  	[dreg:$0x4] =	wrdreg s17  }
0xb7: {  	[dreg:$0x5] =	wrdreg s18  }
0xb8: {  	[dreg:$0x6] =	wrdreg $0x9  }
0xb9: {  	_ =	task.clear_ibuf [dreg:s9], $0x7FFFF;
	_ =	strace $0x90000049  }
0xba: {  	s29 =	simm.s32 $0x9;
	_ =	strace $0x8000004B  }
0xbb: {  	_ =	swait.ge [sflag:s29], $0x1  }
0xbc: {  	[sflag:s29] =	ssyncadd.s32 $0xFFFFFFFF  }
0xbd: {  	_ =	strace $0x9000004B  }
0xbe: {  	_ =	sfence  }
0xbf: {  	s30 =	sld [smem:$0x0];
	_ =	sdelay $0x2  }
0xc0: {  	s31 =	sshll.u32 s1, $0xD;
	s1 =	sshrl.u32 s1, $0x2  }
0xc1: {  	s3 =	sand.u32 $0x4000, s31;
	s1 =	sadd.s32 s1, s30  }
0xc2: {  	s0 =	sor.u32 s3, s0;
	s1 =	sshll.u32 s1, $0x11  }
0xc3: {  	s0 =	sor.u32 s1, s0  }
0xc4: {  	s0 =	sadd.s32 $0x8F2B, s0  }
0xc5: {  	[sflag:s0] =	ssyncadd.remote.s32 $0x1  }
0xc6: {  	_ =	sfence.sel $0xFFFF  }
0xc7: {  	[dreg:$0x0] =	wrdreg $0xFFFFFFFF;
	(pc) =	sbr.abs _section_cstart, $3  }
0xc8: {  	[dreg:$0x1] =	wrdreg $0xFFFFFFFF  }
0xc9: {  	_ =	task.clear_ibuf [dreg:s9], $0x2FFFF;
	_ =	strace $0x9FFFFFFF  }
0xca: {  	(tm) =	ssettm $0x7FFFFFFF  }
0xcb: {  	_ =	shalt  }
tec
execute0_lowered:
.L_overlay_start_1:
0x0: {  	(tag) =	ssettag $0x1  }
0x1: {  	s5 =	rddreg [dreg:$0x0]  }
0x2: {  	s14 =	rddreg [dreg:$0x1];
	s1 =	srdreg.scid  }
0x3: {  	s16 =	rddreg [dreg:$0x2];
	s0 =	stileid.u32;
	s15 =	sand.u32 $0x1, s1  }
0x4: {  	s17 =	rddreg [dreg:$0x3];
	s3 =	sshll.u32 s0, $0x3;
	s4 =	sshll.u32 s15, $0x2  }
0x5: {  	s2 =	simm.s32 $0x0;
	s1 =	rddreg [dreg:$0x4];
	s18 =	sor.u32 s4, s3  }
0x6: {  	[smem:$0x7FF] =	sst s2;
	s3 =	sadd.s32 s18, s5  }
0x7: {  	_ =	strace $0x8000004A;
	s4 =	sadd.s32 $0xC00, s3;
	s3 =	simm.s32 $0x2  }
0x8: {  	[tilespmem:s2], [sflag:$0x2] =	stream.linear.gather [hbm4b:s4+s2], $0x20, $0x38;
	[tilespmem:$0x400] =	vst v63  }
0x9: {  	_ =	swait.ge [sflag:s3], $0x20  }
0xa: {  	[sflag:s3] =	ssyncset.done $0x0  }
0xb: {  	[sflag:s3] =	ssyncadd.s32 $0xFFFFFFE0  }
0xc: {  	v0 =	vld [tilespmem:$0x0]  }
0xd: {  	v1 =	vld [tilespmem:$0x10];
	_ =	sdelay $0x3  }
0xe: {  	v0 =	vshll.u32 v0, $0x7  }
0xf: {  	v1 =	vshll.u32 v1, $0x7;
	[tilespmem:$0x80] =	vst v0  }
0x10: {  	v2 =	vor.u32 $0x1, v0;
	[tilespmem:$0x90] =	vst v1  }
0x11: {  	v0 =	vor.u32 $0x2, v0;
	[tilespmem:$0x100] =	vst v2  }
0x12: {  	v60 =	vor.u32 $0x1, v1;
	[tilespmem:$0x180] =	vst v0  }
0x13: {  	s6 =	simm.s32 $0x20;
	v61 =	vor.u32 $0x2, v1;
	[tilespmem:$0x110] =	vst v60  }
0x14: {  	s7 =	simm.s32 $0x80;
	s8 =	simm.s32 $0x200;
	s5 =	sadd.s32 $0xE00, s5;
	[tilespmem:$0x190] =	vst v61  }
0x15: {  	[tilespmem:s8], [sflag:$0x1] =	stream.indirect.gather [hbm4b:s5+s6], $0x1, s7, s6, $0xb8;
	[tilespmem:$0x400] =	vst v63  }
0x16: {  	s9 =	simm.s32 $0x100;
	s11 =	simm.s32 $0x280  }
0x17: {  	[tilespmem:s11], [sflag:$0x1] =	stream.indirect.gather [hbm4b:s5+s6], $0x1, s9, s6, $0xb8;
	[tilespmem:$0x400] =	vst v63  }
0x18: {  	s12 =	simm.s32 $0x180;
	s10 =	simm.s32 $0x300;
	s13 =	simm.s32 $0x1  }
0x19: {  	[tilespmem:s10], [sflag:$0x1] =	stream.indirect.gather [hbm4b:s5+s6], $0x1, s12, s6, $0xb8;
	[tilespmem:$0x400] =	vst v63  }
0x1a: {  	_ =	swait.ge [sflag:s13], $0x20  }
0x1b: {  	[sflag:s13] =	ssyncset.done $0x0  }
0x1c: {  	[sflag:s13] =	ssyncadd.s32 $0xFFFFFFE0  }
0x1d: {  	_ =	swait.ge [sflag:s13], $0x20  }
0x1e: {  	[sflag:s13] =	ssyncset.done $0x0  }
0x1f: {  	[sflag:s13] =	ssyncadd.s32 $0xFFFFFFE0  }
0x20: {  	_ =	swait.ge [sflag:s13], $0x20  }
0x21: {  	[sflag:s13] =	ssyncset.done $0x0  }
0x22: {  	[sflag:s13] =	ssyncadd.s32 $0xFFFFFFE0  }
0x23: {  	v62 =	vld [tilespmem:$0x200]  }
0x24: {  	v63 =	vld [tilespmem:$0x210];
	_ =	sdelay $0x3  }
0x25: {  	s19 =	ssub.s32 $0x2, s15;
	v0 =	vtrunc.f32 v62  }
0x26: {  	s20 =	sshrl.u32 s19, $0x1;
	v1 =	vtrunc.f32 v63;
	v0 =	vcvt.f32.s32 v0  }
0x27: {  	s19 =	ssub.s32 s19, s20;
	v1 =	vcvt.f32.s32 v1  }
0x28: {  	s19 =	smax.u32 s19, $0x1;
	[tilespmem:$0x380] =	vst v0  }
0x29: {  	s15 =	simm.s32 $0x380;
	s14 =	sadd.s32 s14, s18;
	p0 =	sne.s32 s19, $0x1;
	[tilespmem:$0x390] =	vst v1  }
0x2a: {  	[hbm4b:s14+s2] =	stream.linear.scatter [tilespmem:s15], [sflag:$0x2], $0x20, $0x38;
	[tilespmem:$0x400] =	vst v63  }
.Ltmp0:
0x2b: {  	_ =	swait.ge [sflag:s3], $0x20;
	(pc) =	sbr.rel @!p0 .LBB2_2-.Ltmp0, $4  }
0x2c: {  	[sflag:s3] =	ssyncset.done $0x0  }
0x2d: {  	s16 =	sadd.s32 s16, s18;
	[sflag:s3] =	ssyncadd.s32 $0xFFFFFFE0  }
0x2e: {  	[hbm4b:s16+s2] =	stream.linear.scatter [tilespmem:s11], [sflag:$0x2], $0x20, $0x38;
	[tilespmem:$0x400] =	vst v63  }
0x2f: {  	s17 =	sadd.s32 s17, s18;
	s18 =	sadd.s32 $0xFFFFFFFF, s19;
	_ =	swait.ge [sflag:s3], $0x20  }
.LBB2_1:
0x30: {  	p0 =	sne.s32 s18, $0x1;
	s18 =	sadd.s32 $0xFFFFFFFF, s18;
	[sflag:s3] =	ssyncset.done $0x0  }
0x31: {  	[sflag:s3] =	ssyncadd.s32 $0xFFFFFFE0  }
0x32: {  	[hbm4b:s17+s2] =	stream.linear.scatter [tilespmem:s10], [sflag:$0x2], $0x20, $0x38;
	[tilespmem:$0x400] =	vst v63  }
0x33: {  	_ =	swait.ge [sflag:s3], $0x20  }
0x34: {  	[sflag:s3] =	ssyncset.done $0x0  }
0x35: {  	[sflag:s3] =	ssyncadd.s32 $0xFFFFFFE0  }
0x36: {  	[tilespmem:s2], [sflag:$0x2] =	stream.linear.gather [hbm4b:s4+s2], $0x20, $0x38;
	[tilespmem:$0x400] =	vst v63  }
0x37: {  	_ =	swait.ge [sflag:s3], $0x20  }
0x38: {  	[sflag:s3] =	ssyncset.done $0x0  }
0x39: {  	[sflag:s3] =	ssyncadd.s32 $0xFFFFFFE0  }
0x3a: {  	v0 =	vld [tilespmem:$0x0]  }
0x3b: {  	v1 =	vld [tilespmem:$0x10];
	_ =	sdelay $0x3  }
0x3c: {  	v0 =	vshll.u32 v0, $0x7  }
0x3d: {  	[tilespmem:$0x80] =	vst v0;
	v2 =	vor.u32 $0x1, v0;
	v0 =	vor.u32 $0x2, v0;
	v1 =	vshll.u32 v1, $0x7  }
0x3e: {  	[tilespmem:$0x100] =	vst v2;
	v2 =	vor.u32 $0x1, v1;
	v3 =	vor.u32 $0x2, v1  }
0x3f: {  	[tilespmem:$0x90] =	vst v1  }
0x40: {  	[tilespmem:$0x180] =	vst v0  }
0x41: {  	[tilespmem:$0x110] =	vst v2  }
0x42: {  	[tilespmem:$0x190] =	vst v3  }
0x43: {  	[tilespmem:s8], [sflag:$0x1] =	stream.indirect.gather [hbm4b:s5+s6], $0x1, s7, s6, $0xb8;
	[tilespmem:$0x400] =	vst v63  }
0x44: {  	_ = 	snop  }
0x45: {  	[tilespmem:s11], [sflag:$0x1] =	stream.indirect.gather [hbm4b:s5+s6], $0x1, s9, s6, $0xb8;
	[tilespmem:$0x400] =	vst v63  }
0x46: {  	_ = 	snop  }
0x47: {  	[tilespmem:s10], [sflag:$0x1] =	stream.indirect.gather [hbm4b:s5+s6], $0x1, s12, s6, $0xb8;
	[tilespmem:$0x400] =	vst v63  }
0x48: {  	_ =	swait.ge [sflag:s13], $0x20  }
0x49: {  	[sflag:s13] =	ssyncset.done $0x0  }
0x4a: {  	[sflag:s13] =	ssyncadd.s32 $0xFFFFFFE0  }
0x4b: {  	_ =	swait.ge [sflag:s13], $0x20  }
0x4c: {  	[sflag:s13] =	ssyncset.done $0x0  }
0x4d: {  	[sflag:s13] =	ssyncadd.s32 $0xFFFFFFE0  }
0x4e: {  	_ =	swait.ge [sflag:s13], $0x20  }
0x4f: {  	[sflag:s13] =	ssyncset.done $0x0  }
0x50: {  	[sflag:s13] =	ssyncadd.s32 $0xFFFFFFE0  }
0x51: {  	v0 =	vld [tilespmem:$0x200]  }
0x52: {  	v1 =	vld [tilespmem:$0x210];
	_ =	sdelay $0x3  }
0x53: {  	v0 =	vtrunc.f32 v0  }
0x54: {  	v0 =	vcvt.f32.s32 v0;
	v1 =	vtrunc.f32 v1  }
0x55: {  	v1 =	vcvt.f32.s32 v1  }
0x56: {  	[tilespmem:$0x380] =	vst v0  }
0x57: {  	[tilespmem:$0x390] =	vst v1  }
0x58: {  	[hbm4b:s14+s2] =	stream.linear.scatter [tilespmem:s15], [sflag:$0x2], $0x20, $0x38;
	[tilespmem:$0x400] =	vst v63  }
.Ltmp1:
0x59: {  	_ =	swait.ge [sflag:s3], $0x20;
	(pc) =	sbr.rel @p0 .LBB2_1-.Ltmp1, $4  }
0x5a: {  	[sflag:s3] =	ssyncset.done $0x0  }
0x5b: {  	[sflag:s3] =	ssyncadd.s32 $0xFFFFFFE0  }
0x5c: {  	[hbm4b:s16+s2] =	stream.linear.scatter [tilespmem:s11], [sflag:$0x2], $0x20, $0x38;
	[tilespmem:$0x400] =	vst v63  }
0x5d: {  	_ =	swait.ge [sflag:s3], $0x20  }
.LBB2_2:
0x5e: {  	[sflag:s3] =	ssyncset.done $0x0  }
0x5f: {  	[sflag:s3] =	ssyncadd.s32 $0xFFFFFFE0  }
0x60: {  	[hbm4b:s17+s2] =	stream.linear.scatter [tilespmem:s10], [sflag:$0x2], $0x20, $0x38;
	[tilespmem:$0x400] =	vst v63  }
0x61: {  	_ =	swait.ge [sflag:s3], $0x20  }
0x62: {  	[sflag:s3] =	ssyncset.done $0x0  }
0x63: {  	[sflag:s3] =	ssyncadd.s32 $0xFFFFFFE0  }
0x64: {  	_ =	sfence.sel $0x180000  }
0x65: {  	[bflag:$0x0] =	sbarrier.arrive $0xFFFF  }
0x66: {  	p0 =	sne.s32 s0, $0x0;
	_ =	strace $0x9000004A  }
0x67: {  	s0 =	sadd.s32 @!p0 $0x100000, s1;
	[bflag:$0x2] =	sbarrier.arrive $0xFFFF  }
0x68: {  	[sflag:s0] =	ssyncadd.tile.s32 @!p0 $0x1;
	_ =	shalt  }
.Lfunc_end2:
_tile_overlayer_lowered:
.L_overlay_start_2:
0x69: {  	(tag) =	ssettag $0x2  }
0x6a: {  	s0 =	rddreg [dreg:$0x0];
	s2 =	stileid.u32  }
0x6b: {  	s1 =	rddreg [dreg:$0x1];
	p0 =	sne.s32 s2, $0x0  }
0x6c: {  	s3 =	rddreg [dreg:$0x2];
	[bflag:$0x3] =	sbarrier.arrive $0xFFFF;
	s2 =	simm.s32 @!p0 $0x1C02  }
0x6d: {  	[timem:s3], [sflag:s2] =	dma.local @!p0 [hbm:s0], s1  }
0x6e: {  	s0 =	simm.s32 @!p0 $0x2  }
0x6f: {  	_ =	swait.ge @!p0 [sflag:s0], s1  }
0x70: {  	s1 =	ssub.s32 @!p0 $0x0, s1;
	[sflag:s0] =	ssyncset.done @!p0 $0x0  }
0x71: {  	[sflag:s0] =	ssyncadd.s32 @!p0 s1  }
0x72: {  	[bflag:$0x3] =	sbarrier.arrive $0xFFFF  }
0x73: {  	_ =	shalt  }

</sc_bundles>
